<compile_context>
chip_gen: v7x
topology: tpu7x:2x2x1
jax: 0.10.2.dev20260603
libtpu: 0.0.44.dev20260713+nightly
codegen_flags: <defaults>
</compile_context>

<pallas_src>
import functools

import jax
import jax.numpy as jnp
from jax import lax
from jax.experimental import pallas as pl
from jax.experimental.pallas import tpu as pltpu
from jax.experimental.pallas import tpu_sc as plsc

_NUM_EMB = 90000
_EMB_DIM = 32
_BATCH = 16384
_FLAT = _NUM_EMB * _EMB_DIM

_info = plsc.get_sparse_core_info()
_NC = _info.num_cores
_NS = _info.num_subcores
_L = _info.num_lanes
_NW = _NC * _NS
_BPW = _BATCH // _NW
_ICHUNK = 128
_NICHUNK = _BPW // _ICHUNK
_WBUF = _EMB_DIM * _BPW

_MESH = plsc.VectorSubcoreMesh(core_axis_name="c", subcore_axis_name="s")
_PARAMS = pltpu.CompilerParams(needs_layout_passes=False)


def _stage_idx(idx_hbm, idx_v, base, sem):
    cp = pltpu.async_copy(idx_hbm.at[pl.ds(base, _BPW)], idx_v, sem)
    cp.wait()


def _gather_all(t_hbm, idx_v, buf_v, sem):

    def fire_dim(d, carry):
        src = t_hbm.at[pl.ds(d * _NUM_EMB, _NUM_EMB)]
        pltpu.async_copy(src.at[idx_v],
                         buf_v.at[pl.ds(d * _BPW, _BPW)], sem)
        return carry

    lax.fori_loop(0, _EMB_DIM, fire_dim, 0)
    pltpu.make_async_copy(t_hbm.at[pl.ds(0, _WBUF)], buf_v, sem).wait()


@functools.partial(
    pl.kernel, mesh=_MESH,
    out_type=jax.ShapeDtypeStruct((_NW * _WBUF,), jnp.float32),
    scratch_types=[
        pltpu.VMEM((_BPW,), jnp.int32),
        pltpu.VMEM((_WBUF,), jnp.float32),
        pltpu.SemaphoreType.DMA,
        pltpu.SemaphoreType.DMA,
    ],
    compiler_params=_PARAMS,
)
def _sc_user(uid_hbm, ut_hbm, stash_hbm, uidx_v, ubuf_v, sem_idx, sem_g):
    wid = lax.axis_index("s") * _NC + lax.axis_index("c")
    base = wid * _BPW
    _stage_idx(uid_hbm, uidx_v, base, sem_idx)
    _gather_all(ut_hbm, uidx_v, ubuf_v, sem_g)
    pltpu.sync_copy(ubuf_v, stash_hbm.at[pl.ds(wid * _WBUF, _WBUF)])


@functools.partial(
    pl.kernel, mesh=_MESH,
    out_type=jax.ShapeDtypeStruct((_BATCH,), jnp.float32),
    scratch_types=[
        pltpu.VMEM((_BPW,), jnp.int32),
        pltpu.VMEM((_WBUF,), jnp.float32),
        pltpu.VMEM((_WBUF,), jnp.float32),
        pltpu.VMEM((_BPW,), jnp.float32),
        pltpu.SemaphoreType.DMA,
        pltpu.SemaphoreType.DMA,
    ],
    compiler_params=_PARAMS,
)
def _sc_item(iid_hbm, it_hbm, stash_hbm, out_hbm,
             iidx_v, ibuf_v, ubuf_v, out_v, sem_idx, sem_g):
    wid = lax.axis_index("s") * _NC + lax.axis_index("c")
    base = wid * _BPW
    _stage_idx(iid_hbm, iidx_v, base, sem_idx)
    stash_cp = pltpu.async_copy(stash_hbm.at[pl.ds(wid * _WBUF, _WBUF)],
                                ubuf_v, sem_idx)
    _gather_all(it_hbm, iidx_v, ibuf_v, sem_g)
    stash_cp.wait()

    def group_body(g, carry):
        acc_d = jnp.zeros((_L,), jnp.float32)
        acc_u = jnp.zeros((_L,), jnp.float32)
        acc_i = jnp.zeros((_L,), jnp.float32)
        for d in range(_EMB_DIM):
            s = pl.ds(d * _BPW + g * _L, _L)
            ic = ibuf_v[s]
            uc = ubuf_v[s]
            acc_d = acc_d + uc * ic
            acc_u = acc_u + uc * uc
            acc_i = acc_i + ic * ic
        p = jnp.maximum(acc_u, 1e-16) * jnp.maximum(acc_i, 1e-16)
        seed = jnp.full((_L,), 0x5F3759DF, jnp.int32) - \
            lax.shift_right_logical(plsc.bitcast(p, jnp.int32), 1)
        y = plsc.bitcast(seed, jnp.float32)
        for _ in range(3):
            y = y * (1.5 - 0.5 * p * y * y)
        out_v[pl.ds(g * _L, _L)] = (6.0 * acc_d) * y
        return carry

    lax.fori_loop(0, _BPW // _L, group_body, 0)

    pltpu.sync_copy(out_v, out_hbm.at[pl.ds(base, _BPW)])


def kernel(user_id, item_id, user_table, item_table):
    uid = user_id.astype(jnp.int32)
    iid = item_id.astype(jnp.int32)
    uflat = user_table.T.reshape(_FLAT)
    iflat = item_table.T.reshape(_FLAT)
    stash = _sc_user(uid, uflat)
    return _sc_item(iid, iflat, stash)

# --- scband reference (transcript-rebuilt; emitter-appended) ---
"""Pipeline reference for scband-mf-model-82094004896397 (READ-ONLY COPY).

The authoritative reference and input builder live on the scoring server;
editing this copy changes nothing except your own understanding.
"""

import jax, jax.numpy as jnp
import numpy as np

NUM_EMB = 90000
EMB_DIM = 32
BATCH = 16384

def setup_inputs(seed: int = 0) -> dict:
    key = jax.random.key(seed)
    k1, k2, k3, k4 = jax.random.split(key, 4)
    user_id = jax.random.randint(k1, (BATCH,), 0, NUM_EMB, dtype=jnp.int64 if jax.config.jax_enable_x64 else jnp.int32)
    item_id = jax.random.randint(k2, (BATCH,), 0, NUM_EMB, dtype=jnp.int64 if jax.config.jax_enable_x64 else jnp.int32)
    user_table = jax.random.normal(k3, (NUM_EMB, EMB_DIM), dtype=jnp.float32)
    item_table = jax.random.normal(k4, (NUM_EMB, EMB_DIM), dtype=jnp.float32)
    return {"user_id": user_id, "item_id": item_id, "user_table": user_table, "item_table": item_table}

def reference(user_id, item_id, user_table, item_table):
    # embedding lookups (gather)
    user_emb = jnp.take(user_table, user_id, axis=0)  # [B, 32]
    item_emb = jnp.take(item_table, item_id, axis=0)  # [B, 32]
    # cosine similarity along dim=1 with torch eps=1e-8 semantics
    dot = jnp.sum(user_emb * item_emb, axis=1)
    nu = jnp.maximum(jnp.linalg.norm(user_emb, axis=1), 1e-8)
    ni = jnp.maximum(jnp.linalg.norm(item_emb, axis=1), 1e-8)
    dis = dot / (nu * ni)
    dis = dis * 6.0
    return dis

if __name__ == "__main__":
    import jax
    _d = setup_inputs()
    print(jax.jit(kernel)(*tuple(_d.values())))

</pallas_src>

<mosaic_0001>
#map = affine_map<(d0, d1) -> (0)>
module attributes {stable_mosaic.version = 14 : i64} {
  func.func @_sc_item(%arg0: i32, %arg1: i32, %arg2: memref<16384xi32, #tpu.memory_space<hbm>>, %arg3: memref<2880000xf32, #tpu.memory_space<hbm>>, %arg4: memref<524288xf32, #tpu.memory_space<hbm>>, %arg5: memref<16384xf32, #tpu.memory_space<hbm>>, %arg6: memref<512xi32, #tpu.memory_space<vmem>>, %arg7: memref<16384xf32, #tpu.memory_space<vmem>>, %arg8: memref<16384xf32, #tpu.memory_space<vmem>>, %arg9: memref<512xf32, #tpu.memory_space<vmem>>, %arg10: memref<!tpu.dma_semaphore, #tpu.memory_space<semaphore_mem>>, %arg11: memref<!tpu.dma_semaphore, #tpu.memory_space<semaphore_mem>>) attributes {dimension_semantics = [#tpu.dimension_semantics<core_parallel>, #tpu.dimension_semantics<subcore_parallel>], iteration_bounds = array<i64: 2, 16>, scalar_prefetch = 0 : i64, scratch_operands = 6 : i64, tpu.core_type = #tpu.core_type<sc_vector_subcore>, window_params = [{transform_indices = #map}, {transform_indices = #map}, {transform_indices = #map}, {transform_indices = #map}]} {
    %mul3A = arith.constant 2 : i32
    %mul3A_0 = arith.muli %arg1, %mul3A : i32
    %add3A = arith.addi %mul3A_0, %arg0 : i32
    %mul3A_1 = arith.constant 512 : i32
    %mul3A_2 = arith.muli %add3A, %mul3A_1 : i32
    %dma_start3A = tpu.memref_slice %arg2[%mul3A_2] : memref<16384xi32, #tpu.memory_space<hbm>> -> memref<512xi32, #tpu.memory_space<hbm>>
    %dma_start3A_3 = tpu.memref_slice %arg2[%mul3A_2] : memref<16384xi32, #tpu.memory_space<hbm>> -> memref<512xi32, #tpu.memory_space<hbm>>
    tpu.enqueue_dma source(%dma_start3A_3 : memref<512xi32, #tpu.memory_space<hbm>>) target(%arg6 : memref<512xi32, #tpu.memory_space<vmem>>) target_semaphore(%arg10 : memref<!tpu.dma_semaphore, #tpu.memory_space<semaphore_mem>>)
    %dma_wait3A = tpu.memref_slice %arg2[%mul3A_2] : memref<16384xi32, #tpu.memory_space<hbm>> -> memref<512xi32, #tpu.memory_space<hbm>>
    %dma_wait3A_4 = tpu.memref_slice %arg2[%mul3A_2] : memref<16384xi32, #tpu.memory_space<hbm>> -> memref<512xi32, #tpu.memory_space<hbm>>
    tpu.wait_dma2 semaphore(%arg10 : memref<!tpu.dma_semaphore, #tpu.memory_space<semaphore_mem>>) src(%dma_wait3A_4 : memref<512xi32, #tpu.memory_space<hbm>>) dst(%arg6 : memref<512xi32, #tpu.memory_space<vmem>>)
    %mul3A_5 = arith.constant 16384 : i32
    %mul3A_6 = arith.muli %add3A, %mul3A_5 : i32
    %dma_start3A_7 = tpu.memref_slice %arg4[%mul3A_6] : memref<524288xf32, #tpu.memory_space<hbm>> -> memref<16384xf32, #tpu.memory_space<hbm>>
    %dma_start3A_8 = tpu.memref_slice %arg4[%mul3A_6] : memref<524288xf32, #tpu.memory_space<hbm>> -> memref<16384xf32, #tpu.memory_space<hbm>>
    tpu.enqueue_dma source(%dma_start3A_8 : memref<16384xf32, #tpu.memory_space<hbm>>) target(%arg8 : memref<16384xf32, #tpu.memory_space<vmem>>) target_semaphore(%arg10 : memref<!tpu.dma_semaphore, #tpu.memory_space<semaphore_mem>>)
    %scan3A = arith.constant 0 : i32
    %scan3A_9 = arith.constant 0 : i32
    %scan3A_10 = arith.constant 32 : i32
    %scan3A_11 = arith.addi %scan3A_9, %scan3A_10 : i32
    %scan3A_12 = arith.constant 1 : i32
    scf.for %scan3A_26 = %scan3A_9 to %scan3A_11 step %scan3A_12  : i32 {
      %mul3A_27 = arith.constant 90000 : i32
      %mul3A_28 = arith.muli %scan3A_26, %mul3A_27 : i32
      %mul3A_29 = arith.constant 512 : i32
      %mul3A_30 = arith.muli %scan3A_26, %mul3A_29 : i32
      %dma_start3A_31 = tpu.memref_slice %arg7[%mul3A_30] : memref<16384xf32, #tpu.memory_space<vmem>> -> memref<512xf32, #tpu.memory_space<vmem>>
      %dma_start3A_32 = tpu.memref_slice %arg3[%mul3A_28] : memref<2880000xf32, #tpu.memory_space<hbm>> -> memref<90000xf32, #tpu.memory_space<hbm>>
      %dma_start3A_33 = arith.constant 0 : i32
      %dma_start3A_34 = tpu.memref_slice %dma_start3A_32[%dma_start3A_33] : memref<90000xf32, #tpu.memory_space<hbm>> -> memref<90000xf32, #tpu.memory_space<hbm>>
      tpu.enqueue_indirect_dma source(%dma_start3A_34 : memref<90000xf32, #tpu.memory_space<hbm>>) target(%dma_start3A_31 : memref<512xf32, #tpu.memory_space<vmem>>) offsets(%arg6 : memref<512xi32, #tpu.memory_space<vmem>>) semaphore(%arg11 : memref<!tpu.dma_semaphore, #tpu.memory_space<semaphore_mem>>)
    }
    %scan3A_13 = arith.constant 32 : i32
    %dma_wait3A_14 = arith.constant 0 : i32
    %dma_wait3A_15 = tpu.memref_slice %arg3[%dma_wait3A_14] : memref<2880000xf32, #tpu.memory_space<hbm>> -> memref<16384xf32, #tpu.memory_space<hbm>>
    %dma_wait3A_16 = arith.constant 0 : i32
    %dma_wait3A_17 = tpu.memref_slice %arg3[%dma_wait3A_16] : memref<2880000xf32, #tpu.memory_space<hbm>> -> memref<16384xf32, #tpu.memory_space<hbm>>
    tpu.wait_dma2 semaphore(%arg11 : memref<!tpu.dma_semaphore, #tpu.memory_space<semaphore_mem>>) src(%dma_wait3A_17 : memref<16384xf32, #tpu.memory_space<hbm>>) dst(%arg7 : memref<16384xf32, #tpu.memory_space<vmem>>)
    %dma_wait3A_18 = tpu.memref_slice %arg4[%mul3A_6] : memref<524288xf32, #tpu.memory_space<hbm>> -> memref<16384xf32, #tpu.memory_space<hbm>>
    %dma_wait3A_19 = tpu.memref_slice %arg4[%mul3A_6] : memref<524288xf32, #tpu.memory_space<hbm>> -> memref<16384xf32, #tpu.memory_space<hbm>>
    tpu.wait_dma2 semaphore(%arg10 : memref<!tpu.dma_semaphore, #tpu.memory_space<semaphore_mem>>) src(%dma_wait3A_19 : memref<16384xf32, #tpu.memory_space<hbm>>) dst(%arg8 : memref<16384xf32, #tpu.memory_space<vmem>>)
    %scan3A_20 = arith.constant 0 : i32
    %scan3A_21 = arith.constant 0 : i32
    %scan3A_22 = arith.constant 32 : i32
    %scan3A_23 = arith.addi %scan3A_21, %scan3A_22 : i32
    %scan3A_24 = arith.constant 1 : i32
    scf.for %scan3A_26 = %scan3A_21 to %scan3A_23 step %scan3A_24  : i32 {
      %broadcast_in_dim3A = arith.constant 0.000000e+00 : f32
      %broadcast_in_dim3A_27 = vector.broadcast %broadcast_in_dim3A : f32 to vector<16xf32>
      %broadcast_in_dim3A_28 = arith.constant 0.000000e+00 : f32
      %broadcast_in_dim3A_29 = vector.broadcast %broadcast_in_dim3A_28 : f32 to vector<16xf32>
      %broadcast_in_dim3A_30 = arith.constant 0.000000e+00 : f32
      %broadcast_in_dim3A_31 = vector.broadcast %broadcast_in_dim3A_30 : f32 to vector<16xf32>
      %mul3A_32 = arith.constant 16 : i32
      %mul3A_33 = arith.muli %scan3A_26, %mul3A_32 : i32
      %add3A_34 = arith.constant 0 : i32
      %add3A_35 = arith.addi %add3A_34, %mul3A_33 : i32
      %get3A = arith.index_cast %add3A_35 : i32 to index
      %get3A_36 = tpu.vector_load %arg7[%get3A] {strides = array<i32>} : memref<16384xf32, #tpu.memory_space<vmem>>, vector<16xf32>,
      %get3A_37 = arith.index_cast %add3A_35 : i32 to index
      %get3A_38 = tpu.vector_load %arg8[%get3A_37] {strides = array<i32>} : memref<16384xf32, #tpu.memory_space<vmem>>, vector<16xf32>,
      %mul3A_39 = arith.mulf %get3A_38, %get3A_36 : vector<16xf32>
      %add3A_40 = arith.addf %broadcast_in_dim3A_27, %mul3A_39 : vector<16xf32>
      %mul3A_41 = arith.mulf %get3A_38, %get3A_38 : vector<16xf32>
      %add3A_42 = arith.addf %broadcast_in_dim3A_29, %mul3A_41 : vector<16xf32>
      %mul3A_43 = arith.mulf %get3A_36, %get3A_36 : vector<16xf32>
      %add3A_44 = arith.addf %broadcast_in_dim3A_31, %mul3A_43 : vector<16xf32>
      %mul3A_45 = arith.constant 16 : i32
      %mul3A_46 = arith.muli %scan3A_26, %mul3A_45 : i32
      %add3A_47 = arith.constant 512 : i32
      %add3A_48 = arith.addi %add3A_47, %mul3A_46 : i32
      %get3A_49 = arith.index_cast %add3A_48 : i32 to index
      %get3A_50 = tpu.vector_load %arg7[%get3A_49] {strides = array<i32>} : memref<16384xf32, #tpu.memory_space<vmem>>, vector<16xf32>,
      %get3A_51 = arith.index_cast %add3A_48 : i32 to index
      %get3A_52 = tpu.vector_load %arg8[%get3A_51] {strides = array<i32>} : memref<16384xf32, #tpu.memory_space<vmem>>, vector<16xf32>,
      %mul3A_53 = arith.mulf %get3A_52, %get3A_50 : vector<16xf32>
      %add3A_54 = arith.addf %add3A_40, %mul3A_53 : vector<16xf32>
      %mul3A_55 = arith.mulf %get3A_52, %get3A_52 : vector<16xf32>
      %add3A_56 = arith.addf %add3A_42, %mul3A_55 : vector<16xf32>
      %mul3A_57 = arith.mulf %get3A_50, %get3A_50 : vector<16xf32>
      %add3A_58 = arith.addf %add3A_44, %mul3A_57 : vector<16xf32>
      %mul3A_59 = arith.constant 16 : i32
      %mul3A_60 = arith.muli %scan3A_26, %mul3A_59 : i32
      %add3A_61 = arith.constant 1024 : i32
      %add3A_62 = arith.addi %add3A_61, %mul3A_60 : i32
      %get3A_63 = arith.index_cast %add3A_62 : i32 to index
      %get3A_64 = tpu.vector_load %arg7[%get3A_63] {strides = array<i32>} : memref<16384xf32, #tpu.memory_space<vmem>>, vector<16xf32>,
      %get3A_65 = arith.index_cast %add3A_62 : i32 to index
      %get3A_66 = tpu.vector_load %arg8[%get3A_65] {strides = array<i32>} : memref<16384xf32, #tpu.memory_space<vmem>>, vector<16xf32>,
      %mul3A_67 = arith.mulf %get3A_66, %get3A_64 : vector<16xf32>
      %add3A_68 = arith.addf %add3A_54, %mul3A_67 : vector<16xf32>
      %mul3A_69 = arith.mulf %get3A_66, %get3A_66 : vector<16xf32>
      %add3A_70 = arith.addf %add3A_56, %mul3A_69 : vector<16xf32>
      %mul3A_71 = arith.mulf %get3A_64, %get3A_64 : vector<16xf32>
      %add3A_72 = arith.addf %add3A_58, %mul3A_71 : vector<16xf32>
      %mul3A_73 = arith.constant 16 : i32
      %mul3A_74 = arith.muli %scan3A_26, %mul3A_73 : i32
      %add3A_75 = arith.constant 1536 : i32
      %add3A_76 = arith.addi %add3A_75, %mul3A_74 : i32
      %get3A_77 = arith.index_cast %add3A_76 : i32 to index
      %get3A_78 = tpu.vector_load %arg7[%get3A_77] {strides = array<i32>} : memref<16384xf32, #tpu.memory_space<vmem>>, vector<16xf32>,
      %get3A_79 = arith.index_cast %add3A_76 : i32 to index
      %get3A_80 = tpu.vector_load %arg8[%get3A_79] {strides = array<i32>} : memref<16384xf32, #tpu.memory_space<vmem>>, vector<16xf32>,
      %mul3A_81 = arith.mulf %get3A_80, %get3A_78 : vector<16xf32>
      %add3A_82 = arith.addf %add3A_68, %mul3A_81 : vector<16xf32>
      %mul3A_83 = arith.mulf %get3A_80, %get3A_80 : vector<16xf32>
      %add3A_84 = arith.addf %add3A_70, %mul3A_83 : vector<16xf32>
      %mul3A_85 = arith.mulf %get3A_78, %get3A_78 : vector<16xf32>
      %add3A_86 = arith.addf %add3A_72, %mul3A_85 : vector<16xf32>
      %mul3A_87 = arith.constant 16 : i32
      %mul3A_88 = arith.muli %scan3A_26, %mul3A_87 : i32
      %add3A_89 = arith.constant 2048 : i32
      %add3A_90 = arith.addi %add3A_89, %mul3A_88 : i32
      %get3A_91 = arith.index_cast %add3A_90 : i32 to index
      %get3A_92 = tpu.vector_load %arg7[%get3A_91] {strides = array<i32>} : memref<16384xf32, #tpu.memory_space<vmem>>, vector<16xf32>,
      %get3A_93 = arith.index_cast %add3A_90 : i32 to index
      %get3A_94 = tpu.vector_load %arg8[%get3A_93] {strides = array<i32>} : memref<16384xf32, #tpu.memory_space<vmem>>, vector<16xf32>,
      %mul3A_95 = arith.mulf %get3A_94, %get3A_92 : vector<16xf32>
      %add3A_96 = arith.addf %add3A_82, %mul3A_95 : vector<16xf32>
      %mul3A_97 = arith.mulf %get3A_94, %get3A_94 : vector<16xf32>
      %add3A_98 = arith.addf %add3A_84, %mul3A_97 : vector<16xf32>
      %mul3A_99 = arith.mulf %get3A_92, %get3A_92 : vector<16xf32>
      %add3A_100 = arith.addf %add3A_86, %mul3A_99 : vector<16xf32>
      %mul3A_101 = arith.constant 16 : i32
      %mul3A_102 = arith.muli %scan3A_26, %mul3A_101 : i32
      %add3A_103 = arith.constant 2560 : i32
      %add3A_104 = arith.addi %add3A_103, %mul3A_102 : i32
      %get3A_105 = arith.index_cast %add3A_104 : i32 to index
      %get3A_106 = tpu.vector_load %arg7[%get3A_105] {strides = array<i32>} : memref<16384xf32, #tpu.memory_space<vmem>>, vector<16xf32>,
      %get3A_107 = arith.index_cast %add3A_104 : i32 to index
      %get3A_108 = tpu.vector_load %arg8[%get3A_107] {strides = array<i32>} : memref<16384xf32, #tpu.memory_space<vmem>>, vector<16xf32>,
      %mul3A_109 = arith.mulf %get3A_108, %get3A_106 : vector<16xf32>
      %add3A_110 = arith.addf %add3A_96, %mul3A_109 : vector<16xf32>
      %mul3A_111 = arith.mulf %get3A_108, %get3A_108 : vector<16xf32>
      %add3A_112 = arith.addf %add3A_98, %mul3A_111 : vector<16xf32>
      %mul3A_113 = arith.mulf %get3A_106, %get3A_106 : vector<16xf32>
      %add3A_114 = arith.addf %add3A_100, %mul3A_113 : vector<16xf32>
      %mul3A_115 = arith.constant 16 : i32
      %mul3A_116 = arith.muli %scan3A_26, %mul3A_115 : i32
      %add3A_117 = arith.constant 3072 : i32
      %add3A_118 = arith.addi %add3A_117, %mul3A_116 : i32
      %get3A_119 = arith.index_cast %add3A_118 : i32 to index
      %get3A_120 = tpu.vector_load %arg7[%get3A_119] {strides = array<i32>} : memref<16384xf32, #tpu.memory_space<vmem>>, vector<16xf32>,
      %get3A_121 = arith.index_cast %add3A_118 : i32 to index
      %get3A_122 = tpu.vector_load %arg8[%get3A_121] {strides = array<i32>} : memref<16384xf32, #tpu.memory_space<vmem>>, vector<16xf32>,
      %mul3A_123 = arith.mulf %get3A_122, %get3A_120 : vector<16xf32>
      %add3A_124 = arith.addf %add3A_110, %mul3A_123 : vector<16xf32>
      %mul3A_125 = arith.mulf %get3A_122, %get3A_122 : vector<16xf32>
      %add3A_126 = arith.addf %add3A_112, %mul3A_125 : vector<16xf32>
      %mul3A_127 = arith.mulf %get3A_120, %get3A_120 : vector<16xf32>
      %add3A_128 = arith.addf %add3A_114, %mul3A_127 : vector<16xf32>
      %mul3A_129 = arith.constant 16 : i32
      %mul3A_130 = arith.muli %scan3A_26, %mul3A_129 : i32
      %add3A_131 = arith.constant 3584 : i32
      %add3A_132 = arith.addi %add3A_131, %mul3A_130 : i32
      %get3A_133 = arith.index_cast %add3A_132 : i32 to index
      %get3A_134 = tpu.vector_load %arg7[%get3A_133] {strides = array<i32>} : memref<16384xf32, #tpu.memory_space<vmem>>, vector<16xf32>,
      %get3A_135 = arith.index_cast %add3A_132 : i32 to index
      %get3A_136 = tpu.vector_load %arg8[%get3A_135] {strides = array<i32>} : memref<16384xf32, #tpu.memory_space<vmem>>, vector<16xf32>,
      %mul3A_137 = arith.mulf %get3A_136, %get3A_134 : vector<16xf32>
      %add3A_138 = arith.addf %add3A_124, %mul3A_137 : vector<16xf32>
      %mul3A_139 = arith.mulf %get3A_136, %get3A_136 : vector<16xf32>
      %add3A_140 = arith.addf %add3A_126, %mul3A_139 : vector<16xf32>
      %mul3A_141 = arith.mulf %get3A_134, %get3A_134 : vector<16xf32>
      %add3A_142 = arith.addf %add3A_128, %mul3A_141 : vector<16xf32>
      %mul3A_143 = arith.constant 16 : i32
      %mul3A_144 = arith.muli %scan3A_26, %mul3A_143 : i32
      %add3A_145 = arith.constant 4096 : i32
      %add3A_146 = arith.addi %add3A_145, %mul3A_144 : i32
      %get3A_147 = arith.index_cast %add3A_146 : i32 to index
      %get3A_148 = tpu.vector_load %arg7[%get3A_147] {strides = array<i32>} : memref<16384xf32, #tpu.memory_space<vmem>>, vector<16xf32>,
      %get3A_149 = arith.index_cast %add3A_146 : i32 to index
      %get3A_150 = tpu.vector_load %arg8[%get3A_149] {strides = array<i32>} : memref<16384xf32, #tpu.memory_space<vmem>>, vector<16xf32>,
      %mul3A_151 = arith.mulf %get3A_150, %get3A_148 : vector<16xf32>
      %add3A_152 = arith.addf %add3A_138, %mul3A_151 : vector<16xf32>
      %mul3A_153 = arith.mulf %get3A_150, %get3A_150 : vector<16xf32>
      %add3A_154 = arith.addf %add3A_140, %mul3A_153 : vector<16xf32>
      %mul3A_155 = arith.mulf %get3A_148, %get3A_148 : vector<16xf32>
      %add3A_156 = arith.addf %add3A_142, %mul3A_155 : vector<16xf32>
      %mul3A_157 = arith.constant 16 : i32
      %mul3A_158 = arith.muli %scan3A_26, %mul3A_157 : i32
      %add3A_159 = arith.constant 4608 : i32
      %add3A_160 = arith.addi %add3A_159, %mul3A_158 : i32
      %get3A_161 = arith.index_cast %add3A_160 : i32 to index
      %get3A_162 = tpu.vector_load %arg7[%get3A_161] {strides = array<i32>} : memref<16384xf32, #tpu.memory_space<vmem>>, vector<16xf32>,
      %get3A_163 = arith.index_cast %add3A_160 : i32 to index
      %get3A_164 = tpu.vector_load %arg8[%get3A_163] {strides = array<i32>} : memref<16384xf32, #tpu.memory_space<vmem>>, vector<16xf32>,
      %mul3A_165 = arith.mulf %get3A_164, %get3A_162 : vector<16xf32>
      %add3A_166 = arith.addf %add3A_152, %mul3A_165 : vector<16xf32>
      %mul3A_167 = arith.mulf %get3A_164, %get3A_164 : vector<16xf32>
      %add3A_168 = arith.addf %add3A_154, %mul3A_167 : vector<16xf32>
      %mul3A_169 = arith.mulf %get3A_162, %get3A_162 : vector<16xf32>
      %add3A_170 = arith.addf %add3A_156, %mul3A_169 : vector<16xf32>
      %mul3A_171 = arith.constant 16 : i32
      %mul3A_172 = arith.muli %scan3A_26, %mul3A_171 : i32
      %add3A_173 = arith.constant 5120 : i32
      %add3A_174 = arith.addi %add3A_173, %mul3A_172 : i32
      %get3A_175 = arith.index_cast %add3A_174 : i32 to index
      %get3A_176 = tpu.vector_load %arg7[%get3A_175] {strides = array<i32>} : memref<16384xf32, #tpu.memory_space<vmem>>, vector<16xf32>,
      %get3A_177 = arith.index_cast %add3A_174 : i32 to index
      %get3A_178 = tpu.vector_load %arg8[%get3A_177] {strides = array<i32>} : memref<16384xf32, #tpu.memory_space<vmem>>, vector<16xf32>,
      %mul3A_179 = arith.mulf %get3A_178, %get3A_176 : vector<16xf32>
      %add3A_180 = arith.addf %add3A_166, %mul3A_179 : vector<16xf32>
      %mul3A_181 = arith.mulf %get3A_178, %get3A_178 : vector<16xf32>
      %add3A_182 = arith.addf %add3A_168, %mul3A_181 : vector<16xf32>
      %mul3A_183 = arith.mulf %get3A_176, %get3A_176 : vector<16xf32>
      %add3A_184 = arith.addf %add3A_170, %mul3A_183 : vector<16xf32>
      %mul3A_185 = arith.constant 16 : i32
      %mul3A_186 = arith.muli %scan3A_26, %mul3A_185 : i32
      %add3A_187 = arith.constant 5632 : i32
      %add3A_188 = arith.addi %add3A_187, %mul3A_186 : i32
      %get3A_189 = arith.index_cast %add3A_188 : i32 to index
      %get3A_190 = tpu.vector_load %arg7[%get3A_189] {strides = array<i32>} : memref<16384xf32, #tpu.memory_space<vmem>>, vector<16xf32>,
      %get3A_191 = arith.index_cast %add3A_188 : i32 to index
      %get3A_192 = tpu.vector_load %arg8[%get3A_191] {strides = array<i32>} : memref<16384xf32, #tpu.memory_space<vmem>>, vector<16xf32>,
      %mul3A_193 = arith.mulf %get3A_192, %get3A_190 : vector<16xf32>
      %add3A_194 = arith.addf %add3A_180, %mul3A_193 : vector<16xf32>
      %mul3A_195 = arith.mulf %get3A_192, %get3A_192 : vector<16xf32>
      %add3A_196 = arith.addf %add3A_182, %mul3A_195 : vector<16xf32>
      %mul3A_197 = arith.mulf %get3A_190, %get3A_190 : vector<16xf32>
      %add3A_198 = arith.addf %add3A_184, %mul3A_197 : vector<16xf32>
      %mul3A_199 = arith.constant 16 : i32
      %mul3A_200 = arith.muli %scan3A_26, %mul3A_199 : i32
      %add3A_201 = arith.constant 6144 : i32
      %add3A_202 = arith.addi %add3A_201, %mul3A_200 : i32
      %get3A_203 = arith.index_cast %add3A_202 : i32 to index
      %get3A_204 = tpu.vector_load %arg7[%get3A_203] {strides = array<i32>} : memref<16384xf32, #tpu.memory_space<vmem>>, vector<16xf32>,
      %get3A_205 = arith.index_cast %add3A_202 : i32 to index
      %get3A_206 = tpu.vector_load %arg8[%get3A_205] {strides = array<i32>} : memref<16384xf32, #tpu.memory_space<vmem>>, vector<16xf32>,
      %mul3A_207 = arith.mulf %get3A_206, %get3A_204 : vector<16xf32>
      %add3A_208 = arith.addf %add3A_194, %mul3A_207 : vector<16xf32>
      %mul3A_209 = arith.mulf %get3A_206, %get3A_206 : vector<16xf32>
      %add3A_210 = arith.addf %add3A_196, %mul3A_209 : vector<16xf32>
      %mul3A_211 = arith.mulf %get3A_204, %get3A_204 : vector<16xf32>
      %add3A_212 = arith.addf %add3A_198, %mul3A_211 : vector<16xf32>
      %mul3A_213 = arith.constant 16 : i32
      %mul3A_214 = arith.muli %scan3A_26, %mul3A_213 : i32
      %add3A_215 = arith.constant 6656 : i32
      %add3A_216 = arith.addi %add3A_215, %mul3A_214 : i32
      %get3A_217 = arith.index_cast %add3A_216 : i32 to index
      %get3A_218 = tpu.vector_load %arg7[%get3A_217] {strides = array<i32>} : memref<16384xf32, #tpu.memory_space<vmem>>, vector<16xf32>,
      %get3A_219 = arith.index_cast %add3A_216 : i32 to index
      %get3A_220 = tpu.vector_load %arg8[%get3A_219] {strides = array<i32>} : memref<16384xf32, #tpu.memory_space<vmem>>, vector<16xf32>,
      %mul3A_221 = arith.mulf %get3A_220, %get3A_218 : vector<16xf32>
      %add3A_222 = arith.addf %add3A_208, %mul3A_221 : vector<16xf32>
      %mul3A_223 = arith.mulf %get3A_220, %get3A_220 : vector<16xf32>
      %add3A_224 = arith.addf %add3A_210, %mul3A_223 : vector<16xf32>
      %mul3A_225 = arith.mulf %get3A_218, %get3A_218 : vector<16xf32>
      %add3A_226 = arith.addf %add3A_212, %mul3A_225 : vector<16xf32>
      %mul3A_227 = arith.constant 16 : i32
      %mul3A_228 = arith.muli %scan3A_26, %mul3A_227 : i32
      %add3A_229 = arith.constant 7168 : i32
      %add3A_230 = arith.addi %add3A_229, %mul3A_228 : i32
      %get3A_231 = arith.index_cast %add3A_230 : i32 to index
      %get3A_232 = tpu.vector_load %arg7[%get3A_231] {strides = array<i32>} : memref<16384xf32, #tpu.memory_space<vmem>>, vector<16xf32>,
      %get3A_233 = arith.index_cast %add3A_230 : i32 to index
      %get3A_234 = tpu.vector_load %arg8[%get3A_233] {strides = array<i32>} : memref<16384xf32, #tpu.memory_space<vmem>>, vector<16xf32>,
      %mul3A_235 = arith.mulf %get3A_234, %get3A_232 : vector<16xf32>
      %add3A_236 = arith.addf %add3A_222, %mul3A_235 : vector<16xf32>
      %mul3A_237 = arith.mulf %get3A_234, %get3A_234 : vector<16xf32>
      %add3A_238 = arith.addf %add3A_224, %mul3A_237 : vector<16xf32>
      %mul3A_239 = arith.mulf %get3A_232, %get3A_232 : vector<16xf32>
      %add3A_240 = arith.addf %add3A_226, %mul3A_239 : vector<16xf32>
      %mul3A_241 = arith.constant 16 : i32
      %mul3A_242 = arith.muli %scan3A_26, %mul3A_241 : i32
      %add3A_243 = arith.constant 7680 : i32
      %add3A_244 = arith.addi %add3A_243, %mul3A_242 : i32
      %get3A_245 = arith.index_cast %add3A_244 : i32 to index
      %get3A_246 = tpu.vector_load %arg7[%get3A_245] {strides = array<i32>} : memref<16384xf32, #tpu.memory_space<vmem>>, vector<16xf32>,
      %get3A_247 = arith.index_cast %add3A_244 : i32 to index
      %get3A_248 = tpu.vector_load %arg8[%get3A_247] {strides = array<i32>} : memref<16384xf32, #tpu.memory_space<vmem>>, vector<16xf32>,
      %mul3A_249 = arith.mulf %get3A_248, %get3A_246 : vector<16xf32>
      %add3A_250 = arith.addf %add3A_236, %mul3A_249 : vector<16xf32>
      %mul3A_251 = arith.mulf %get3A_248, %get3A_248 : vector<16xf32>
      %add3A_252 = arith.addf %add3A_238, %mul3A_251 : vector<16xf32>
      %mul3A_253 = arith.mulf %get3A_246, %get3A_246 : vector<16xf32>
      %add3A_254 = arith.addf %add3A_240, %mul3A_253 : vector<16xf32>
      %mul3A_255 = arith.constant 16 : i32
      %mul3A_256 = arith.muli %scan3A_26, %mul3A_255 : i32
      %add3A_257 = arith.constant 8192 : i32
      %add3A_258 = arith.addi %add3A_257, %mul3A_256 : i32
      %get3A_259 = arith.index_cast %add3A_258 : i32 to index
      %get3A_260 = tpu.vector_load %arg7[%get3A_259] {strides = array<i32>} : memref<16384xf32, #tpu.memory_space<vmem>>, vector<16xf32>,
      %get3A_261 = arith.index_cast %add3A_258 : i32 to index
      %get3A_262 = tpu.vector_load %arg8[%get3A_261] {strides = array<i32>} : memref<16384xf32, #tpu.memory_space<vmem>>, vector<16xf32>,
      %mul3A_263 = arith.mulf %get3A_262, %get3A_260 : vector<16xf32>
      %add3A_264 = arith.addf %add3A_250, %mul3A_263 : vector<16xf32>
      %mul3A_265 = arith.mulf %get3A_262, %get3A_262 : vector<16xf32>
      %add3A_266 = arith.addf %add3A_252, %mul3A_265 : vector<16xf32>
      %mul3A_267 = arith.mulf %get3A_260, %get3A_260 : vector<16xf32>
      %add3A_268 = arith.addf %add3A_254, %mul3A_267 : vector<16xf32>
      %mul3A_269 = arith.constant 16 : i32
      %mul3A_270 = arith.muli %scan3A_26, %mul3A_269 : i32
      %add3A_271 = arith.constant 8704 : i32
      %add3A_272 = arith.addi %add3A_271, %mul3A_270 : i32
      %get3A_273 = arith.index_cast %add3A_272 : i32 to index
      %get3A_274 = tpu.vector_load %arg7[%get3A_273] {strides = array<i32>} : memref<16384xf32, #tpu.memory_space<vmem>>, vector<16xf32>,
      %get3A_275 = arith.index_cast %add3A_272 : i32 to index
      %get3A_276 = tpu.vector_load %arg8[%get3A_275] {strides = array<i32>} : memref<16384xf32, #tpu.memory_space<vmem>>, vector<16xf32>,
      %mul3A_277 = arith.mulf %get3A_276, %get3A_274 : vector<16xf32>
      %add3A_278 = arith.addf %add3A_264, %mul3A_277 : vector<16xf32>
      %mul3A_279 = arith.mulf %get3A_276, %get3A_276 : vector<16xf32>
      %add3A_280 = arith.addf %add3A_266, %mul3A_279 : vector<16xf32>
      %mul3A_281 = arith.mulf %get3A_274, %get3A_274 : vector<16xf32>
      %add3A_282 = arith.addf %add3A_268, %mul3A_281 : vector<16xf32>
      %mul3A_283 = arith.constant 16 : i32
      %mul3A_284 = arith.muli %scan3A_26, %mul3A_283 : i32
      %add3A_285 = arith.constant 9216 : i32
      %add3A_286 = arith.addi %add3A_285, %mul3A_284 : i32
      %get3A_287 = arith.index_cast %add3A_286 : i32 to index
      %get3A_288 = tpu.vector_load %arg7[%get3A_287] {strides = array<i32>} : memref<16384xf32, #tpu.memory_space<vmem>>, vector<16xf32>,
      %get3A_289 = arith.index_cast %add3A_286 : i32 to index
      %get3A_290 = tpu.vector_load %arg8[%get3A_289] {strides = array<i32>} : memref<16384xf32, #tpu.memory_space<vmem>>, vector<16xf32>,
      %mul3A_291 = arith.mulf %get3A_290, %get3A_288 : vector<16xf32>
      %add3A_292 = arith.addf %add3A_278, %mul3A_291 : vector<16xf32>
      %mul3A_293 = arith.mulf %get3A_290, %get3A_290 : vector<16xf32>
      %add3A_294 = arith.addf %add3A_280, %mul3A_293 : vector<16xf32>
      %mul3A_295 = arith.mulf %get3A_288, %get3A_288 : vector<16xf32>
      %add3A_296 = arith.addf %add3A_282, %mul3A_295 : vector<16xf32>
      %mul3A_297 = arith.constant 16 : i32
      %mul3A_298 = arith.muli %scan3A_26, %mul3A_297 : i32
      %add3A_299 = arith.constant 9728 : i32
      %add3A_300 = arith.addi %add3A_299, %mul3A_298 : i32
      %get3A_301 = arith.index_cast %add3A_300 : i32 to index
      %get3A_302 = tpu.vector_load %arg7[%get3A_301] {strides = array<i32>} : memref<16384xf32, #tpu.memory_space<vmem>>, vector<16xf32>,
      %get3A_303 = arith.index_cast %add3A_300 : i32 to index
      %get3A_304 = tpu.vector_load %arg8[%get3A_303] {strides = array<i32>} : memref<16384xf32, #tpu.memory_space<vmem>>, vector<16xf32>,
      %mul3A_305 = arith.mulf %get3A_304, %get3A_302 : vector<16xf32>
      %add3A_306 = arith.addf %add3A_292, %mul3A_305 : vector<16xf32>
      %mul3A_307 = arith.mulf %get3A_304, %get3A_304 : vector<16xf32>
      %add3A_308 = arith.addf %add3A_294, %mul3A_307 : vector<16xf32>
      %mul3A_309 = arith.mulf %get3A_302, %get3A_302 : vector<16xf32>
      %add3A_310 = arith.addf %add3A_296, %mul3A_309 : vector<16xf32>
      %mul3A_311 = arith.constant 16 : i32
      %mul3A_312 = arith.muli %scan3A_26, %mul3A_311 : i32
      %add3A_313 = arith.constant 10240 : i32
      %add3A_314 = arith.addi %add3A_313, %mul3A_312 : i32
      %get3A_315 = arith.index_cast %add3A_314 : i32 to index
      %get3A_316 = tpu.vector_load %arg7[%get3A_315] {strides = array<i32>} : memref<16384xf32, #tpu.memory_space<vmem>>, vector<16xf32>,
      %get3A_317 = arith.index_cast %add3A_314 : i32 to index
      %get3A_318 = tpu.vector_load %arg8[%get3A_317] {strides = array<i32>} : memref<16384xf32, #tpu.memory_space<vmem>>, vector<16xf32>,
      %mul3A_319 = arith.mulf %get3A_318, %get3A_316 : vector<16xf32>
      %add3A_320 = arith.addf %add3A_306, %mul3A_319 : vector<16xf32>
      %mul3A_321 = arith.mulf %get3A_318, %get3A_318 : vector<16xf32>
      %add3A_322 = arith.addf %add3A_308, %mul3A_321 : vector<16xf32>
      %mul3A_323 = arith.mulf %get3A_316, %get3A_316 : vector<16xf32>
      %add3A_324 = arith.addf %add3A_310, %mul3A_323 : vector<16xf32>
      %mul3A_325 = arith.constant 16 : i32
      %mul3A_326 = arith.muli %scan3A_26, %mul3A_325 : i32
      %add3A_327 = arith.constant 10752 : i32
      %add3A_328 = arith.addi %add3A_327, %mul3A_326 : i32
      %get3A_329 = arith.index_cast %add3A_328 : i32 to index
      %get3A_330 = tpu.vector_load %arg7[%get3A_329] {strides = array<i32>} : memref<16384xf32, #tpu.memory_space<vmem>>, vector<16xf32>,
      %get3A_331 = arith.index_cast %add3A_328 : i32 to index
      %get3A_332 = tpu.vector_load %arg8[%get3A_331] {strides = array<i32>} : memref<16384xf32, #tpu.memory_space<vmem>>, vector<16xf32>,
      %mul3A_333 = arith.mulf %get3A_332, %get3A_330 : vector<16xf32>
      %add3A_334 = arith.addf %add3A_320, %mul3A_333 : vector<16xf32>
      %mul3A_335 = arith.mulf %get3A_332, %get3A_332 : vector<16xf32>
      %add3A_336 = arith.addf %add3A_322, %mul3A_335 : vector<16xf32>
      %mul3A_337 = arith.mulf %get3A_330, %get3A_330 : vector<16xf32>
      %add3A_338 = arith.addf %add3A_324, %mul3A_337 : vector<16xf32>
      %mul3A_339 = arith.constant 16 : i32
      %mul3A_340 = arith.muli %scan3A_26, %mul3A_339 : i32
      %add3A_341 = arith.constant 11264 : i32
      %add3A_342 = arith.addi %add3A_341, %mul3A_340 : i32
      %get3A_343 = arith.index_cast %add3A_342 : i32 to index
      %get3A_344 = tpu.vector_load %arg7[%get3A_343] {strides = array<i32>} : memref<16384xf32, #tpu.memory_space<vmem>>, vector<16xf32>,
      %get3A_345 = arith.index_cast %add3A_342 : i32 to index
      %get3A_346 = tpu.vector_load %arg8[%get3A_345] {strides = array<i32>} : memref<16384xf32, #tpu.memory_space<vmem>>, vector<16xf32>,
      %mul3A_347 = arith.mulf %get3A_346, %get3A_344 : vector<16xf32>
      %add3A_348 = arith.addf %add3A_334, %mul3A_347 : vector<16xf32>
      %mul3A_349 = arith.mulf %get3A_346, %get3A_346 : vector<16xf32>
      %add3A_350 = arith.addf %add3A_336, %mul3A_349 : vector<16xf32>
      %mul3A_351 = arith.mulf %get3A_344, %get3A_344 : vector<16xf32>
      %add3A_352 = arith.addf %add3A_338, %mul3A_351 : vector<16xf32>
      %mul3A_353 = arith.constant 16 : i32
      %mul3A_354 = arith.muli %scan3A_26, %mul3A_353 : i32
      %add3A_355 = arith.constant 11776 : i32
      %add3A_356 = arith.addi %add3A_355, %mul3A_354 : i32
      %get3A_357 = arith.index_cast %add3A_356 : i32 to index
      %get3A_358 = tpu.vector_load %arg7[%get3A_357] {strides = array<i32>} : memref<16384xf32, #tpu.memory_space<vmem>>, vector<16xf32>,
      %get3A_359 = arith.index_cast %add3A_356 : i32 to index
      %get3A_360 = tpu.vector_load %arg8[%get3A_359] {strides = array<i32>} : memref<16384xf32, #tpu.memory_space<vmem>>, vector<16xf32>,
      %mul3A_361 = arith.mulf %get3A_360, %get3A_358 : vector<16xf32>
      %add3A_362 = arith.addf %add3A_348, %mul3A_361 : vector<16xf32>
      %mul3A_363 = arith.mulf %get3A_360, %get3A_360 : vector<16xf32>
      %add3A_364 = arith.addf %add3A_350, %mul3A_363 : vector<16xf32>
      %mul3A_365 = arith.mulf %get3A_358, %get3A_358 : vector<16xf32>
      %add3A_366 = arith.addf %add3A_352, %mul3A_365 : vector<16xf32>
      %mul3A_367 = arith.constant 16 : i32
      %mul3A_368 = arith.muli %scan3A_26, %mul3A_367 : i32
      %add3A_369 = arith.constant 12288 : i32
      %add3A_370 = arith.addi %add3A_369, %mul3A_368 : i32
      %get3A_371 = arith.index_cast %add3A_370 : i32 to index
      %get3A_372 = tpu.vector_load %arg7[%get3A_371] {strides = array<i32>} : memref<16384xf32, #tpu.memory_space<vmem>>, vector<16xf32>,
      %get3A_373 = arith.index_cast %add3A_370 : i32 to index
      %get3A_374 = tpu.vector_load %arg8[%get3A_373] {strides = array<i32>} : memref<16384xf32, #tpu.memory_space<vmem>>, vector<16xf32>,
      %mul3A_375 = arith.mulf %get3A_374, %get3A_372 : vector<16xf32>
      %add3A_376 = arith.addf %add3A_362, %mul3A_375 : vector<16xf32>
      %mul3A_377 = arith.mulf %get3A_374, %get3A_374 : vector<16xf32>
      %add3A_378 = arith.addf %add3A_364, %mul3A_377 : vector<16xf32>
      %mul3A_379 = arith.mulf %get3A_372, %get3A_372 : vector<16xf32>
      %add3A_380 = arith.addf %add3A_366, %mul3A_379 : vector<16xf32>
      %mul3A_381 = arith.constant 16 : i32
      %mul3A_382 = arith.muli %scan3A_26, %mul3A_381 : i32
      %add3A_383 = arith.constant 12800 : i32
      %add3A_384 = arith.addi %add3A_383, %mul3A_382 : i32
      %get3A_385 = arith.index_cast %add3A_384 : i32 to index
      %get3A_386 = tpu.vector_load %arg7[%get3A_385] {strides = array<i32>} : memref<16384xf32, #tpu.memory_space<vmem>>, vector<16xf32>,
      %get3A_387 = arith.index_cast %add3A_384 : i32 to index
      %get3A_388 = tpu.vector_load %arg8[%get3A_387] {strides = array<i32>} : memref<16384xf32, #tpu.memory_space<vmem>>, vector<16xf32>,
      %mul3A_389 = arith.mulf %get3A_388, %get3A_386 : vector<16xf32>
      %add3A_390 = arith.addf %add3A_376, %mul3A_389 : vector<16xf32>
      %mul3A_391 = arith.mulf %get3A_388, %get3A_388 : vector<16xf32>
      %add3A_392 = arith.addf %add3A_378, %mul3A_391 : vector<16xf32>
      %mul3A_393 = arith.mulf %get3A_386, %get3A_386 : vector<16xf32>
      %add3A_394 = arith.addf %add3A_380, %mul3A_393 : vector<16xf32>
      %mul3A_395 = arith.constant 16 : i32
      %mul3A_396 = arith.muli %scan3A_26, %mul3A_395 : i32
      %add3A_397 = arith.constant 13312 : i32
      %add3A_398 = arith.addi %add3A_397, %mul3A_396 : i32
      %get3A_399 = arith.index_cast %add3A_398 : i32 to index
      %get3A_400 = tpu.vector_load %arg7[%get3A_399] {strides = array<i32>} : memref<16384xf32, #tpu.memory_space<vmem>>, vector<16xf32>,
      %get3A_401 = arith.index_cast %add3A_398 : i32 to index
      %get3A_402 = tpu.vector_load %arg8[%get3A_401] {strides = array<i32>} : memref<16384xf32, #tpu.memory_space<vmem>>, vector<16xf32>,
      %mul3A_403 = arith.mulf %get3A_402, %get3A_400 : vector<16xf32>
      %add3A_404 = arith.addf %add3A_390, %mul3A_403 : vector<16xf32>
      %mul3A_405 = arith.mulf %get3A_402, %get3A_402 : vector<16xf32>
      %add3A_406 = arith.addf %add3A_392, %mul3A_405 : vector<16xf32>
      %mul3A_407 = arith.mulf %get3A_400, %get3A_400 : vector<16xf32>
      %add3A_408 = arith.addf %add3A_394, %mul3A_407 : vector<16xf32>
      %mul3A_409 = arith.constant 16 : i32
      %mul3A_410 = arith.muli %scan3A_26, %mul3A_409 : i32
      %add3A_411 = arith.constant 13824 : i32
      %add3A_412 = arith.addi %add3A_411, %mul3A_410 : i32
      %get3A_413 = arith.index_cast %add3A_412 : i32 to index
      %get3A_414 = tpu.vector_load %arg7[%get3A_413] {strides = array<i32>} : memref<16384xf32, #tpu.memory_space<vmem>>, vector<16xf32>,
      %get3A_415 = arith.index_cast %add3A_412 : i32 to index
      %get3A_416 = tpu.vector_load %arg8[%get3A_415] {strides = array<i32>} : memref<16384xf32, #tpu.memory_space<vmem>>, vector<16xf32>,
      %mul3A_417 = arith.mulf %get3A_416, %get3A_414 : vector<16xf32>
      %add3A_418 = arith.addf %add3A_404, %mul3A_417 : vector<16xf32>
      %mul3A_419 = arith.mulf %get3A_416, %get3A_416 : vector<16xf32>
      %add3A_420 = arith.addf %add3A_406, %mul3A_419 : vector<16xf32>
      %mul3A_421 = arith.mulf %get3A_414, %get3A_414 : vector<16xf32>
      %add3A_422 = arith.addf %add3A_408, %mul3A_421 : vector<16xf32>
      %mul3A_423 = arith.constant 16 : i32
      %mul3A_424 = arith.muli %scan3A_26, %mul3A_423 : i32
      %add3A_425 = arith.constant 14336 : i32
      %add3A_426 = arith.addi %add3A_425, %mul3A_424 : i32
      %get3A_427 = arith.index_cast %add3A_426 : i32 to index
      %get3A_428 = tpu.vector_load %arg7[%get3A_427] {strides = array<i32>} : memref<16384xf32, #tpu.memory_space<vmem>>, vector<16xf32>,
      %get3A_429 = arith.index_cast %add3A_426 : i32 to index
      %get3A_430 = tpu.vector_load %arg8[%get3A_429] {strides = array<i32>} : memref<16384xf32, #tpu.memory_space<vmem>>, vector<16xf32>,
      %mul3A_431 = arith.mulf %get3A_430, %get3A_428 : vector<16xf32>
      %add3A_432 = arith.addf %add3A_418, %mul3A_431 : vector<16xf32>
      %mul3A_433 = arith.mulf %get3A_430, %get3A_430 : vector<16xf32>
      %add3A_434 = arith.addf %add3A_420, %mul3A_433 : vector<16xf32>
      %mul3A_435 = arith.mulf %get3A_428, %get3A_428 : vector<16xf32>
      %add3A_436 = arith.addf %add3A_422, %mul3A_435 : vector<16xf32>
      %mul3A_437 = arith.constant 16 : i32
      %mul3A_438 = arith.muli %scan3A_26, %mul3A_437 : i32
      %add3A_439 = arith.constant 14848 : i32
      %add3A_440 = arith.addi %add3A_439, %mul3A_438 : i32
      %get3A_441 = arith.index_cast %add3A_440 : i32 to index
      %get3A_442 = tpu.vector_load %arg7[%get3A_441] {strides = array<i32>} : memref<16384xf32, #tpu.memory_space<vmem>>, vector<16xf32>,
      %get3A_443 = arith.index_cast %add3A_440 : i32 to index
      %get3A_444 = tpu.vector_load %arg8[%get3A_443] {strides = array<i32>} : memref<16384xf32, #tpu.memory_space<vmem>>, vector<16xf32>,
      %mul3A_445 = arith.mulf %get3A_444, %get3A_442 : vector<16xf32>
      %add3A_446 = arith.addf %add3A_432, %mul3A_445 : vector<16xf32>
      %mul3A_447 = arith.mulf %get3A_444, %get3A_444 : vector<16xf32>
      %add3A_448 = arith.addf %add3A_434, %mul3A_447 : vector<16xf32>
      %mul3A_449 = arith.mulf %get3A_442, %get3A_442 : vector<16xf32>
      %add3A_450 = arith.addf %add3A_436, %mul3A_449 : vector<16xf32>
      %mul3A_451 = arith.constant 16 : i32
      %mul3A_452 = arith.muli %scan3A_26, %mul3A_451 : i32
      %add3A_453 = arith.constant 15360 : i32
      %add3A_454 = arith.addi %add3A_453, %mul3A_452 : i32
      %get3A_455 = arith.index_cast %add3A_454 : i32 to index
      %get3A_456 = tpu.vector_load %arg7[%get3A_455] {strides = array<i32>} : memref<16384xf32, #tpu.memory_space<vmem>>, vector<16xf32>,
      %get3A_457 = arith.index_cast %add3A_454 : i32 to index
      %get3A_458 = tpu.vector_load %arg8[%get3A_457] {strides = array<i32>} : memref<16384xf32, #tpu.memory_space<vmem>>, vector<16xf32>,
      %mul3A_459 = arith.mulf %get3A_458, %get3A_456 : vector<16xf32>
      %add3A_460 = arith.addf %add3A_446, %mul3A_459 : vector<16xf32>
      %mul3A_461 = arith.mulf %get3A_458, %get3A_458 : vector<16xf32>
      %add3A_462 = arith.addf %add3A_448, %mul3A_461 : vector<16xf32>
      %mul3A_463 = arith.mulf %get3A_456, %get3A_456 : vector<16xf32>
      %add3A_464 = arith.addf %add3A_450, %mul3A_463 : vector<16xf32>
      %mul3A_465 = arith.constant 16 : i32
      %mul3A_466 = arith.muli %scan3A_26, %mul3A_465 : i32
      %add3A_467 = arith.constant 15872 : i32
      %add3A_468 = arith.addi %add3A_467, %mul3A_466 : i32
      %get3A_469 = arith.index_cast %add3A_468 : i32 to index
      %get3A_470 = tpu.vector_load %arg7[%get3A_469] {strides = array<i32>} : memref<16384xf32, #tpu.memory_space<vmem>>, vector<16xf32>,
      %get3A_471 = arith.index_cast %add3A_468 : i32 to index
      %get3A_472 = tpu.vector_load %arg8[%get3A_471] {strides = array<i32>} : memref<16384xf32, #tpu.memory_space<vmem>>, vector<16xf32>,
      %mul3A_473 = arith.mulf %get3A_472, %get3A_470 : vector<16xf32>
      %add3A_474 = arith.addf %add3A_460, %mul3A_473 : vector<16xf32>
      %mul3A_475 = arith.mulf %get3A_472, %get3A_472 : vector<16xf32>
      %add3A_476 = arith.addf %add3A_462, %mul3A_475 : vector<16xf32>
      %mul3A_477 = arith.mulf %get3A_470, %get3A_470 : vector<16xf32>
      %add3A_478 = arith.addf %add3A_464, %mul3A_477 : vector<16xf32>
      %max3A = arith.constant 1.000000e-16 : f32
      %max3A_479 = vector.broadcast %max3A : f32 to vector<16xf32>
      %max3A_480 = arith.maximumf %add3A_476, %max3A_479 : vector<16xf32>
      %max3A_481 = arith.constant 1.000000e-16 : f32
      %max3A_482 = vector.broadcast %max3A_481 : f32 to vector<16xf32>
      %max3A_483 = arith.maximumf %add3A_478, %max3A_482 : vector<16xf32>
      %mul3A_484 = arith.mulf %max3A_480, %max3A_483 : vector<16xf32>
      %broadcast_in_dim3A_485 = arith.constant 1597463007 : i32
      %broadcast_in_dim3A_486 = vector.broadcast %broadcast_in_dim3A_485 : i32 to vector<16xi32>
      %bitcast3A = vector.bitcast %mul3A_484 : vector<16xf32> to vector<16xi32>
      %shift_right_logical3A = arith.constant 1 : i32
      %shift_right_logical3A_487 = vector.broadcast %shift_right_logical3A : i32 to vector<16xi32>
      %shift_right_logical3A_488 = arith.shrui %bitcast3A, %shift_right_logical3A_487 : vector<16xi32>
      %sub3A = arith.subi %broadcast_in_dim3A_486, %shift_right_logical3A_488 : vector<16xi32>
      %bitcast3A_489 = vector.bitcast %sub3A : vector<16xi32> to vector<16xf32>
      %mul3A_490 = arith.constant 5.000000e-01 : f32
      %mul3A_491 = vector.broadcast %mul3A_490 : f32 to vector<16xf32>
      %mul3A_492 = arith.mulf %mul3A_491, %mul3A_484 : vector<16xf32>
      %mul3A_493 = arith.mulf %mul3A_492, %bitcast3A_489 : vector<16xf32>
      %mul3A_494 = arith.mulf %mul3A_493, %bitcast3A_489 : vector<16xf32>
      %sub3A_495 = arith.constant 1.500000e+00 : f32
      %sub3A_496 = vector.broadcast %sub3A_495 : f32 to vector<16xf32>
      %sub3A_497 = arith.subf %sub3A_496, %mul3A_494 : vector<16xf32>
      %mul3A_498 = arith.mulf %bitcast3A_489, %sub3A_497 : vector<16xf32>
      %mul3A_499 = arith.constant 5.000000e-01 : f32
      %mul3A_500 = vector.broadcast %mul3A_499 : f32 to vector<16xf32>
      %mul3A_501 = arith.mulf %mul3A_500, %mul3A_484 : vector<16xf32>
      %mul3A_502 = arith.mulf %mul3A_501, %mul3A_498 : vector<16xf32>
      %mul3A_503 = arith.mulf %mul3A_502, %mul3A_498 : vector<16xf32>
      %sub3A_504 = arith.constant 1.500000e+00 : f32
      %sub3A_505 = vector.broadcast %sub3A_504 : f32 to vector<16xf32>
      %sub3A_506 = arith.subf %sub3A_505, %mul3A_503 : vector<16xf32>
      %mul3A_507 = arith.mulf %mul3A_498, %sub3A_506 : vector<16xf32>
      %mul3A_508 = arith.constant 5.000000e-01 : f32
      %mul3A_509 = vector.broadcast %mul3A_508 : f32 to vector<16xf32>
      %mul3A_510 = arith.mulf %mul3A_509, %mul3A_484 : vector<16xf32>
      %mul3A_511 = arith.mulf %mul3A_510, %mul3A_507 : vector<16xf32>
      %mul3A_512 = arith.mulf %mul3A_511, %mul3A_507 : vector<16xf32>
      %sub3A_513 = arith.constant 1.500000e+00 : f32
      %sub3A_514 = vector.broadcast %sub3A_513 : f32 to vector<16xf32>
      %sub3A_515 = arith.subf %sub3A_514, %mul3A_512 : vector<16xf32>
      %mul3A_516 = arith.mulf %mul3A_507, %sub3A_515 : vector<16xf32>
      %mul3A_517 = arith.constant 6.000000e+00 : f32
      %mul3A_518 = vector.broadcast %mul3A_517 : f32 to vector<16xf32>
      %mul3A_519 = arith.mulf %mul3A_518, %add3A_474 : vector<16xf32>
      %mul3A_520 = arith.mulf %mul3A_519, %mul3A_516 : vector<16xf32>
      %mul3A_521 = arith.constant 16 : i32
      %mul3A_522 = arith.muli %scan3A_26, %mul3A_521 : i32
      %swap3A = arith.index_cast %mul3A_522 : i32 to index
      %swap3A_523 = tpu.vector_load %arg9[%swap3A] {strides = array<i32>} : memref<512xf32, #tpu.memory_space<vmem>>, vector<16xf32>,
      tpu.vector_store %arg9[%swap3A], %mul3A_520 {strides = array<i32>} : memref<512xf32, #tpu.memory_space<vmem>>, vector<16xf32>,
    }
    %scan3A_25 = arith.constant 32 : i32
    "tpu.region"() ({
      %run_scoped3A = tpu.sem_alloc : memref<!tpu.dma_semaphore, #tpu.memory_space<semaphore_mem>>
      %dma_start3A_26 = tpu.memref_slice %arg5[%mul3A_2] : memref<16384xf32, #tpu.memory_space<hbm>> -> memref<512xf32, #tpu.memory_space<hbm>>
      %dma_start3A_27 = tpu.memref_slice %arg5[%mul3A_2] : memref<16384xf32, #tpu.memory_space<hbm>> -> memref<512xf32, #tpu.memory_space<hbm>>
      tpu.enqueue_dma source(%arg9 : memref<512xf32, #tpu.memory_space<vmem>>) target(%dma_start3A_27 : memref<512xf32, #tpu.memory_space<hbm>>) target_semaphore(%run_scoped3A : memref<!tpu.dma_semaphore, #tpu.memory_space<semaphore_mem>>)
      %dma_wait3A_28 = tpu.memref_slice %arg5[%mul3A_2] : memref<16384xf32, #tpu.memory_space<hbm>> -> memref<512xf32, #tpu.memory_space<hbm>>
      %dma_wait3A_29 = tpu.memref_slice %arg5[%mul3A_2] : memref<16384xf32, #tpu.memory_space<hbm>> -> memref<512xf32, #tpu.memory_space<hbm>>
      tpu.wait_dma2 semaphore(%run_scoped3A : memref<!tpu.dma_semaphore, #tpu.memory_space<semaphore_mem>>) src(%arg9 : memref<512xf32, #tpu.memory_space<vmem>>) dst(%dma_wait3A_29 : memref<512xf32, #tpu.memory_space<hbm>>)
      tpu.yield
    }) : () -> ()
    return
  }
}

#map = affine_map<(d0, d1) -> (0)>
module attributes {stable_mosaic.version = 14 : i64} {
  func.func @_sc_user(%arg0: i32, %arg1: i32, %arg2: memref<16384xi32, #tpu.memory_space<hbm>>, %arg3: memref<2880000xf32, #tpu.memory_space<hbm>>, %arg4: memref<524288xf32, #tpu.memory_space<hbm>>, %arg5: memref<512xi32, #tpu.memory_space<vmem>>, %arg6: memref<16384xf32, #tpu.memory_space<vmem>>, %arg7: memref<!tpu.dma_semaphore, #tpu.memory_space<semaphore_mem>>, %arg8: memref<!tpu.dma_semaphore, #tpu.memory_space<semaphore_mem>>) attributes {dimension_semantics = [#tpu.dimension_semantics<core_parallel>, #tpu.dimension_semantics<subcore_parallel>], iteration_bounds = array<i64: 2, 16>, scalar_prefetch = 0 : i64, scratch_operands = 4 : i64, tpu.core_type = #tpu.core_type<sc_vector_subcore>, window_params = [{transform_indices = #map}, {transform_indices = #map}, {transform_indices = #map}]} {
    %mul3A = arith.constant 2 : i32
    %mul3A_0 = arith.muli %arg1, %mul3A : i32
    %add3A = arith.addi %mul3A_0, %arg0 : i32
    %mul3A_1 = arith.constant 512 : i32
    %mul3A_2 = arith.muli %add3A, %mul3A_1 : i32
    %dma_start3A = tpu.memref_slice %arg2[%mul3A_2] : memref<16384xi32, #tpu.memory_space<hbm>> -> memref<512xi32, #tpu.memory_space<hbm>>
    %dma_start3A_3 = tpu.memref_slice %arg2[%mul3A_2] : memref<16384xi32, #tpu.memory_space<hbm>> -> memref<512xi32, #tpu.memory_space<hbm>>
    tpu.enqueue_dma source(%dma_start3A_3 : memref<512xi32, #tpu.memory_space<hbm>>) target(%arg5 : memref<512xi32, #tpu.memory_space<vmem>>) target_semaphore(%arg7 : memref<!tpu.dma_semaphore, #tpu.memory_space<semaphore_mem>>)
    %dma_wait3A = tpu.memref_slice %arg2[%mul3A_2] : memref<16384xi32, #tpu.memory_space<hbm>> -> memref<512xi32, #tpu.memory_space<hbm>>
    %dma_wait3A_4 = tpu.memref_slice %arg2[%mul3A_2] : memref<16384xi32, #tpu.memory_space<hbm>> -> memref<512xi32, #tpu.memory_space<hbm>>
    tpu.wait_dma2 semaphore(%arg7 : memref<!tpu.dma_semaphore, #tpu.memory_space<semaphore_mem>>) src(%dma_wait3A_4 : memref<512xi32, #tpu.memory_space<hbm>>) dst(%arg5 : memref<512xi32, #tpu.memory_space<vmem>>)
    %scan3A = arith.constant 0 : i32
    %scan3A_5 = arith.constant 0 : i32
    %scan3A_6 = arith.constant 32 : i32
    %scan3A_7 = arith.addi %scan3A_5, %scan3A_6 : i32
    %scan3A_8 = arith.constant 1 : i32
    scf.for %scan3A_16 = %scan3A_5 to %scan3A_7 step %scan3A_8  : i32 {
      %mul3A_17 = arith.constant 90000 : i32
      %mul3A_18 = arith.muli %scan3A_16, %mul3A_17 : i32
      %mul3A_19 = arith.constant 512 : i32
      %mul3A_20 = arith.muli %scan3A_16, %mul3A_19 : i32
      %dma_start3A_21 = tpu.memref_slice %arg6[%mul3A_20] : memref<16384xf32, #tpu.memory_space<vmem>> -> memref<512xf32, #tpu.memory_space<vmem>>
      %dma_start3A_22 = tpu.memref_slice %arg3[%mul3A_18] : memref<2880000xf32, #tpu.memory_space<hbm>> -> memref<90000xf32, #tpu.memory_space<hbm>>
      %dma_start3A_23 = arith.constant 0 : i32
      %dma_start3A_24 = tpu.memref_slice %dma_start3A_22[%dma_start3A_23] : memref<90000xf32, #tpu.memory_space<hbm>> -> memref<90000xf32, #tpu.memory_space<hbm>>
      tpu.enqueue_indirect_dma source(%dma_start3A_24 : memref<90000xf32, #tpu.memory_space<hbm>>) target(%dma_start3A_21 : memref<512xf32, #tpu.memory_space<vmem>>) offsets(%arg5 : memref<512xi32, #tpu.memory_space<vmem>>) semaphore(%arg8 : memref<!tpu.dma_semaphore, #tpu.memory_space<semaphore_mem>>)
    }
    %scan3A_9 = arith.constant 32 : i32
    %dma_wait3A_10 = arith.constant 0 : i32
    %dma_wait3A_11 = tpu.memref_slice %arg3[%dma_wait3A_10] : memref<2880000xf32, #tpu.memory_space<hbm>> -> memref<16384xf32, #tpu.memory_space<hbm>>
    %dma_wait3A_12 = arith.constant 0 : i32
    %dma_wait3A_13 = tpu.memref_slice %arg3[%dma_wait3A_12] : memref<2880000xf32, #tpu.memory_space<hbm>> -> memref<16384xf32, #tpu.memory_space<hbm>>
    tpu.wait_dma2 semaphore(%arg8 : memref<!tpu.dma_semaphore, #tpu.memory_space<semaphore_mem>>) src(%dma_wait3A_13 : memref<16384xf32, #tpu.memory_space<hbm>>) dst(%arg6 : memref<16384xf32, #tpu.memory_space<vmem>>)
    %mul3A_14 = arith.constant 16384 : i32
    %mul3A_15 = arith.muli %add3A, %mul3A_14 : i32
    "tpu.region"() ({
      %run_scoped3A = tpu.sem_alloc : memref<!tpu.dma_semaphore, #tpu.memory_space<semaphore_mem>>
      %dma_start3A_16 = tpu.memref_slice %arg4[%mul3A_15] : memref<524288xf32, #tpu.memory_space<hbm>> -> memref<16384xf32, #tpu.memory_space<hbm>>
      %dma_start3A_17 = tpu.memref_slice %arg4[%mul3A_15] : memref<524288xf32, #tpu.memory_space<hbm>> -> memref<16384xf32, #tpu.memory_space<hbm>>
      tpu.enqueue_dma source(%arg6 : memref<16384xf32, #tpu.memory_space<vmem>>) target(%dma_start3A_17 : memref<16384xf32, #tpu.memory_space<hbm>>) target_semaphore(%run_scoped3A : memref<!tpu.dma_semaphore, #tpu.memory_space<semaphore_mem>>)
      %dma_wait3A_18 = tpu.memref_slice %arg4[%mul3A_15] : memref<524288xf32, #tpu.memory_space<hbm>> -> memref<16384xf32, #tpu.memory_space<hbm>>
      %dma_wait3A_19 = tpu.memref_slice %arg4[%mul3A_15] : memref<524288xf32, #tpu.memory_space<hbm>> -> memref<16384xf32, #tpu.memory_space<hbm>>
      tpu.wait_dma2 semaphore(%run_scoped3A : memref<!tpu.dma_semaphore, #tpu.memory_space<semaphore_mem>>) src(%arg6 : memref<16384xf32, #tpu.memory_space<vmem>>) dst(%dma_wait3A_19 : memref<16384xf32, #tpu.memory_space<hbm>>)
      tpu.yield
    }) : () -> ()
    return
  }
}

</mosaic_0001>

<sc_bundles>
// kernel: kernel.4.cloned.1.call-start
scs
__scs_entry_jumppad:
0x0: {  	(pc) =	sbr.rel $0x88, $3  }
0x1: {  	(tag) =	ssettag $0x0;
	lr =	simm.s32 $0x1  }
0x2: {  	[smem:$0x3F9D] =	sst lr;
	_ =	strace $0xD0000000  }
0x3: {  	_ = 	snop  }
0x4: {  	_ = 	snop  }
0x5: {  	_ = 	snop  }
0x6: {  	_ = 	snop  }
0x7: {  	_ = 	snop  }
__scs_overlays_trampoline_lowered:
0x8: {  	[smem:$0x3FAC] =	sst s0  }
0x9: {  	[smem:$0x3FAD] =	sst s1  }
0xa: {  	[smem:$0x3FAE] =	sst s2  }
0xb: {  	[smem:$0x3FAF] =	sst s3  }
0xc: {  	[smem:$0x3FB0] =	sst s4  }
0xd: {  	[smem:$0x3FB1] =	sst s5  }
0xe: {  	[smem:$0x3FB2] =	sst s6  }
0xf: {  	[smem:$0x3FB3] =	sst s7  }
0x10: {  	[smem:$0x3FB4] =	sst s8  }
0x11: {  	[smem:$0x3FB5] =	sst s9;
	s0 =	simm.s32 @!p0 $0x0  }
0x12: {  	s1 =	sld [smem:$0x3F9B];
	s0 =	simm.s32 @p0 $0x1  }
0x13: {  	[smem:$0x3FB6] =	sst s0;
	s0 =	simm.s32 @!p1 $0x0  }
0x14: {  	s2 =	sld [smem:$0x3F9A];
	s0 =	simm.s32 @p1 $0x1  }
0x15: {  	[smem:$0x3FB7] =	sst s0;
	s0 =	simm.s32 @!p2 $0x0  }
0x16: {  	s3 =	sld [smem:$0x3FDB];
	s0 =	simm.s32 @p2 $0x1  }
0x17: {  	s4 =	simm.s32 $0x1BF5;
	[smem:$0x3FB9] =	sst s0  }
0x18: {  	s0 =	sld [smem:$0x3F9C];
	_ =	swait.ge [sflag:s4], $0x0  }
0x19: {  	s7 =	sld [smem:$0x3F9D]  }
0x1a: {  	s8 =	sadd.s32 $0xFFFFE003, lr  }
0x1b: {  	s9 =	sadd.s32 $0xFFFFFEF7, lr;
	s5 =	simm.s32 $0xFFFFFFFF;
	p2 =	slt.u32 s8, $0xFFFFF086  }
0x1c: {  	p1 =	slt.u32 s9, $0xF7A;
	s5 =	simm.s32 @!p2 $0x0  }
0x1d: {  	s5 =	simm.s32 @p1 $0x1;
	p0 =	seq.s32 s7, s2  }
0x1e: {  	s7 =	smul.u32 @!p0 $0xF7A, s2;
	p2 =	seq.s32 @!p0 s5, $0x0  }
0x1f: {  	s9 =	smul.u32 $0xF7A, s1;
	s8 =	simm.s32 @!p0 $0x1BF5;
	p2 =	por !p2, p0  }
0x20: {  	[sflag:s8] =	ssyncset.s32 @!p0 $0xFFFFF086;
	s6 =	sadd.s32 @!p0 s3, s7;
	s7 =	simm.s32 @!p0 $0x108  }
0x21: {  	s3 =	sadd.s32 s3, s9;
	s6 =	sadd.s32 @!p0 $0x88, s6;
	s7 =	simm.s32 @p2 $0x1082  }
0x22: {  	[simem:s7], [sflag:s8] =	dma.local @!p0 [hbm:s6], $0xF7A  }
0x23: {  	s9 =	sor.u32 $0xD0000000, s2;
	s6 =	simm.s32 $0x108;
	_ =	swait.ge @!p0 [sflag:s8], $0x0  }
0x24: {  	s3 =	sadd.s32 $0x88, s3;
	s6 =	simm.s32 @!p1 $0x1082;
	[sflag:s4] =	ssyncset.s32 $0xFFFFF086  }
0x25: {  	[simem:s6], [sflag:s4] =	dma.local [hbm:s3], $0xF7A  }
0x26: {  	[smem:$0x3F9D] =	sst s1;
	(tag) =	ssettag s2;
	_ =	strace s9  }
0x27: {  	s1 =	sld [smem:$0x3FAD]  }
0x28: {  	s2 =	sld [smem:$0x3FAE]  }
0x29: {  	s4 =	sld [smem:$0x3FB0]  }
0x2a: {  	p0 =	seq.s32 s5, $0x0;
	s5 =	sld [smem:$0x3FB1]  }
0x2b: {  	s6 =	sld [smem:$0x3FB2]  }
0x2c: {  	s7 =	sld [smem:$0x3FB3]  }
0x2d: {  	s3 =	simm.s32 $0x108;
	s8 =	sld [smem:$0x3FB4]  }
0x2e: {  	s3 =	simm.s32 @!p0 $0x1082;
	s9 =	sld [smem:$0x3FB5]  }
0x2f: {  	lr =	sadd.s32 s0, s3;
	s0 =	sld [smem:$0x3FAC]  }
0x30: {  	s3 =	sld [smem:$0x3FAF]  }
0x31: {  	[smem:$0x3FB8] =	sst s10  }
0x32: {  	s10 =	sld [smem:$0x3FB6];
	_ =	sdelay $0x3  }
0x33: {  	p0 =	seq.s32 s10, $0x1;
	s10 =	sld [smem:$0x3FB8];
	_ =	sdelay $0x3  }
0x34: {  	[smem:$0x3FB8] =	sst s10  }
0x35: {  	s10 =	sld [smem:$0x3FB7];
	_ =	sdelay $0x3  }
0x36: {  	p1 =	seq.s32 s10, $0x1;
	s10 =	sld [smem:$0x3FB8];
	_ =	sdelay $0x3  }
0x37: {  	[smem:$0x3FB8] =	sst s10  }
0x38: {  	s10 =	sld [smem:$0x3FB9]  }
0x39: {  	_ = 	snop;
	(pc) =	sbr.ind lr, $3  }
0x3a: {  	_ = 	snop  }
0x3b: {  	_ = 	snop  }
0x3c: {  	p2 =	seq.s32 s10, $0x1;
	s10 =	sld [smem:$0x3FB8]  }
0x3d: {  	_ =	shalt  }
0x3e: {  	_ =	shalt  }
0x3f: {  	_ =	shalt  }
0x40: {  	_ =	shalt  }
0x41: {  	_ =	shalt  }
0x42: {  	_ =	shalt  }
0x43: {  	_ =	shalt  }
0x44: {  	_ =	shalt  }
0x45: {  	_ =	shalt  }
0x46: {  	_ =	shalt  }
0x47: {  	_ =	shalt  }
0x48: {  	_ =	shalt  }
0x49: {  	_ =	shalt  }
0x4a: {  	_ =	shalt  }
0x4b: {  	_ =	shalt  }
0x4c: {  	_ =	shalt  }
0x4d: {  	_ =	shalt  }
0x4e: {  	_ =	shalt  }
0x4f: {  	_ =	shalt  }
0x50: {  	_ =	shalt  }
0x51: {  	_ =	shalt  }
0x52: {  	_ =	shalt  }
0x53: {  	_ =	shalt  }
0x54: {  	_ =	shalt  }
0x55: {  	_ =	shalt  }
0x56: {  	_ =	shalt  }
0x57: {  	_ =	shalt  }
0x58: {  	_ =	shalt  }
0x59: {  	_ =	shalt  }
0x5a: {  	_ =	shalt  }
0x5b: {  	_ =	shalt  }
0x5c: {  	_ =	shalt  }
0x5d: {  	_ =	shalt  }
0x5e: {  	_ =	shalt  }
0x5f: {  	_ =	shalt  }
0x60: {  	_ =	shalt  }
0x61: {  	_ =	shalt  }
0x62: {  	_ =	shalt  }
0x63: {  	_ =	shalt  }
0x64: {  	_ =	shalt  }
0x65: {  	_ =	shalt  }
0x66: {  	_ =	shalt  }
0x67: {  	_ =	shalt  }
0x68: {  	_ =	shalt  }
0x69: {  	_ =	shalt  }
0x6a: {  	_ =	shalt  }
0x6b: {  	_ =	shalt  }
0x6c: {  	_ =	shalt  }
0x6d: {  	_ =	shalt  }
0x6e: {  	_ =	shalt  }
0x6f: {  	_ =	shalt  }
0x70: {  	_ =	shalt  }
0x71: {  	_ =	shalt  }
0x72: {  	_ =	shalt  }
0x73: {  	_ =	shalt  }
0x74: {  	_ =	shalt  }
0x75: {  	_ =	shalt  }
0x76: {  	_ =	shalt  }
0x77: {  	_ =	shalt  }
0x78: {  	_ =	shalt  }
0x79: {  	_ =	shalt  }
0x7a: {  	_ =	shalt  }
0x7b: {  	_ =	shalt  }
0x7c: {  	_ =	shalt  }
0x7d: {  	_ =	shalt  }
0x7e: {  	_ =	shalt  }
0x7f: {  	_ =	shalt  }
0x80: {  	_ =	shalt  }
0x81: {  	_ =	shalt  }
0x82: {  	_ =	shalt  }
0x83: {  	_ =	shalt  }
0x84: {  	_ =	shalt  }
0x85: {  	_ =	shalt  }
0x86: {  	_ =	shalt  }
0x87: {  	_ =	shalt  }
.Lfunc_end0:
.L_simem_size_0:
called_computation_lowered:
.L_overlay_start_0:
0x88: {  	s2 =	sld [smem:$0x3FD9]  }
0x89: {  	s3 =	sld [smem:$0x3FFE];
	_ =	sdelay $0x1  }
0x8a: {  	s1 =	srdreg.scid  }
0x8b: {  	s0 =	sand.u32 $0x1, s1  }
0x8c: {  	s17 =	sshll.u32 s0, $0xA;
	s2 =	sadd.s32 s3, s2  }
0x8d: {  	s2 =	sadd.s32 s2, s17  }
0x8e: {  	[smem:$0x3FC4] =	sst s2  }
0x8f: {  	_ = 	snop  }
0x90: {  	s2 =	sld [smem:$0x3FC9];
	(tm) =	ssettm $0x1  }
0x91: {  	s18 =	sld [smem:$0x3FFB];
	_ =	sdelay $0x3  }
0x92: {  	_ =	strace s18  }
0x93: {  	s3 =	sld [smem:$0x3FFC];
	_ =	sdelay $0x3  }
0x94: {  	_ =	strace s3  }
0x95: {  	s3 =	sld [smem:$0x3FFD];
	_ =	sdelay $0x3  }
0x96: {  	_ =	strace s3  }
0x97: {  	_ =	strace $0x8FFFFFFF  }
0x98: {  	s19 =	sld [smem:$0x3FDB];
	_ =	sdelay $0x1  }
0x99: {  	s4 =	simm.s32 $_scs_section_size  }
0x9a: {  	s5 =	simm.s32 $_size__tile_overlayer_lowered;
	s6 =	simm.s32 $_tile_overlayer_lowered  }
0x9b: {  	s22 =	simm.s32 $0x1BFF;
	s21 =	sshll.u32 s6, $0x1;
	s3 =	sadd.s32 s4, s19  }
0x9c: {  	s7 =	simm.s32 $0x0;
	s20 =	sshll.u32 s5, $0x1;
	s5 =	sadd.s32 s21, s3  }
0x9d: {  	[timem:s7], [sflag:s22] =	dma.local [hbm:s5], s20  }
0x9e: {  	_ =	swait.ge [sflag:s22], s20  }
0x9f: {  	s4 =	ssub.s32 $0x0, s20;
	[sflag:s22] =	ssyncset.done $0x0  }
0xa0: {  	[sflag:s22] =	ssyncadd.s32 s4;
	_ =	sdelay $0x1  }
0xa1: {  	s23 =	simm.s32 $0x1B8B  }
0xa2: {  	_ =	swait.ge [sflag:s23], $0x1  }
0xa3: {  	[sflag:s23] =	ssyncset.done $0x0  }
0xa4: {  	s25 =	simm.s32 $0x1B8E;
	s24 =	sld [smem:$0x3FFE];
	[sflag:s23] =	ssyncadd.s32 $0xFFFFFFFF  }
0xa5: {  	s26 =	simm.s32 $execute0_lowered;
	[smem:$0x3FD2] =	sst s25  }
0xa6: {  	s5 =	sshll.u32 s26, $0x1;
	_ =	strace $0x80000046;
	[dreg:$0x1] =	wrdreg $0xFFFFFFFF  }
0xa7: {  	s28 =	simm.s32 $_size_execute0_lowered;
	s3 =	sadd.s32 s3, s5;
	[dreg:$0x0] =	wrdreg $0x0  }
0xa8: {  	s5 =	sshll.u32 s28, $0x1;
	[dreg:$0x2] =	wrdreg s3  }
0xa9: {  	[dreg:$0x3] =	wrdreg s5  }
0xaa: {  	[dreg:$0x4] =	wrdreg $0xC0  }
0xab: {  	_ =	task [dreg:s7], $0x5FFFF  }
0xac: {  	[dreg:$0x1] =	wrdreg $0xFFFFFFFF  }
0xad: {  	[dreg:$0x0] =	wrdreg $0x60  }
0xae: {  	[dreg:$0x2] =	wrdreg s2  }
0xaf: {  	[dreg:$0x3] =	wrdreg s24  }
0xb0: {  	[dreg:$0x4] =	wrdreg $0x9  }
0xb1: {  	_ =	task.clear_ibuf [dreg:s7], $0x5FFFF;
	_ =	strace $0x90000046  }
0xb2: {  	s29 =	simm.s32 $0x9;
	_ =	strace $0x80000048  }
0xb3: {  	_ =	swait.ge [sflag:s29], $0x1  }
0xb4: {  	[sflag:s29] =	ssyncadd.s32 $0xFFFFFFFF  }
0xb5: {  	_ =	strace $0x90000048  }
0xb6: {  	_ =	sfence  }
0xb7: {  	s30 =	sld [smem:$0x0];
	_ =	sdelay $0x2  }
0xb8: {  	s31 =	sshll.u32 s1, $0xD;
	s1 =	sshrl.u32 s1, $0x2  }
0xb9: {  	s3 =	sand.u32 $0x4000, s31;
	s1 =	sadd.s32 s1, s30  }
0xba: {  	s0 =	sor.u32 s3, s0;
	s1 =	sshll.u32 s1, $0x11  }
0xbb: {  	s0 =	sor.u32 s1, s0  }
0xbc: {  	s0 =	sadd.s32 $0x8F2B, s0  }
0xbd: {  	[sflag:s0] =	ssyncadd.remote.s32 $0x1  }
0xbe: {  	_ =	sfence.sel $0xFFFF  }
0xbf: {  	[dreg:$0x0] =	wrdreg $0xFFFFFFFF;
	(pc) =	sbr.abs _section_cstart, $3  }
0xc0: {  	[dreg:$0x1] =	wrdreg $0xFFFFFFFF  }
0xc1: {  	_ =	task.clear_ibuf [dreg:s7], $0x2FFFF;
	_ =	strace $0x9FFFFFFF  }
0xc2: {  	(tm) =	ssettm $0x7FFFFFFF  }
0xc3: {  	_ =	shalt  }
tec
execute0_lowered:
.L_overlay_start_1:
0x0: {  	(tag) =	ssettag $0x1  }
0x1: {  	s4 =	rddreg [dreg:$0x0]  }
0x2: {  	s5 =	rddreg [dreg:$0x1]  }
0x3: {  	s0 =	rddreg [dreg:$0x2];
	s2 =	simm.s32 $0x0;
	s3 =	srdreg.scid  }
0x4: {  	s1 =	stileid.u32;
	s9 =	simm.s32 $0x2;
	s10 =	simm.s32 $0x3  }
0x5: {  	s11 =	simm.s32 $0x0;
	s6 =	sand.u32 $0x1, s3;
	s30 =	sshll.u32 s1, $0x1  }
0x6: {  	[smem:$0x7FF] =	sst s2;
	s3 =	sadd.s32 $0x1400, s5;
	s7 =	sor.u32 s6, s30  }
0x7: {  	_ =	strace $0x80000047;
	s6 =	ssub.s32 $0x2, s6;
	s8 =	sshll.u32 s7, $0xB  }
0x8: {  	s31 =	sshrl.u32 s6, $0x1;
	s7 =	sshll.u32 s7, $0x6;
	s5 =	sadd.s32 s8, s5  }
0x9: {  	s6 =	ssub.s32 s6, s31;
	s4 =	sadd.s32 s4, s7;
	s7 =	simm.s32 $0x1  }
0xa: {  	s8 =	simm.s32 $0x200;
	s5 =	sadd.s32 $0x59400, s5;
	s6 =	smax.u32 s6, $0x1  }
.LBB2_1:
0xb: {  	[tilespmem:s2], [sflag:$0x1] =	stream.linear.gather [hbm4b:s4+s2], $0x200, $0x38;
	[tilespmem:$0x4200] =	vst v63  }
0xc: {  	_ =	swait.ge [sflag:s7], $0x200  }
0xd: {  	[sflag:s7] =	ssyncset.done $0x0  }
0xe: {  	s12 =	simm.s32 $0x200;
	[sflag:s7] =	ssyncadd.s32 $0xFFFFFE00  }
0xf: {  	[tilespmem:s12], [sflag:$0x2] =	stream.indirect.gather [hbm4b:s3+s8], $0x1, s2, s8, $0xb8;
	[tilespmem:$0x4200] =	vst v63  }
0x10: {  	s13 =	smov.u32 s3;
	s12 =	simm.s32 $0x800  }
.LBB2_2:
0x11: {  	p0 =	sne.s32 s12, $0xF800  }
.Ltmp0:
0x12: {  	_ = 	snop;
	(pc) =	sbr.rel @p0 .LBB2_2-.Ltmp0, $4  }
0x13: {  	_ = 	snop  }
0x14: {  	s14 =	sshra.s32 s12, $0x2;
	s12 =	sadd.s32 $0x800, s12  }
0x15: {  	s13 =	sadd.s32 $0x2BF2, s13;
	s14 =	sadd.s32 $0x200, s14  }
0x16: {  	[tilespmem:s14], [sflag:$0x2] =	stream.indirect.gather [hbm4b:s13+s8], $0x1, s2, s8, $0xb8;
	[tilespmem:$0x4200] =	vst v63  }
0x17: {  	_ =	swait.ge [sflag:s9], $0x4000;
	s11 =	sadd.s32 $0x1, s11  }
0x18: {  	[sflag:s9] =	ssyncset.done $0x0;
	p0 =	sne.s32 s11, s6  }
.Ltmp1:
0x19: {  	[sflag:s9] =	ssyncadd.s32 $0xFFFFC000;
	(pc) =	sbr.rel @p0 .LBB2_1-.Ltmp1, $4  }
0x1a: {  	[hbm4b:s5+s2] =	stream.linear.scatter [tilespmem:s8], [sflag:$0x3], $0x4000, $0x38;
	[tilespmem:$0x4200] =	vst v63  }
0x1b: {  	_ =	swait.ge [sflag:s10], $0x4000  }
0x1c: {  	[sflag:s10] =	ssyncset.done $0x0  }
0x1d: {  	[sflag:s10] =	ssyncadd.s32 $0xFFFFC000  }
0x1e: {  	_ =	sfence.sel $0x180000  }
0x1f: {  	[bflag:$0x0] =	sbarrier.arrive $0xFFFF  }
0x20: {  	p0 =	sne.s32 s1, $0x0;
	_ =	strace $0x90000047  }
0x21: {  	s0 =	sadd.s32 @!p0 $0x100000, s0;
	[bflag:$0x2] =	sbarrier.arrive $0xFFFF  }
0x22: {  	[sflag:s0] =	ssyncadd.tile.s32 @!p0 $0x1;
	_ =	shalt  }
.Lfunc_end2:
_tile_overlayer_lowered:
.L_overlay_start_2:
0x23: {  	(tag) =	ssettag $0x2  }
0x24: {  	s0 =	rddreg [dreg:$0x0];
	s2 =	stileid.u32  }
0x25: {  	s1 =	rddreg [dreg:$0x1];
	p0 =	sne.s32 s2, $0x0  }
0x26: {  	s3 =	rddreg [dreg:$0x2];
	[bflag:$0x3] =	sbarrier.arrive $0xFFFF;
	s2 =	simm.s32 @!p0 $0x1C03  }
0x27: {  	[timem:s3], [sflag:s2] =	dma.local @!p0 [hbm:s0], s1  }
0x28: {  	s0 =	simm.s32 @!p0 $0x3  }
0x29: {  	_ =	swait.ge @!p0 [sflag:s0], s1  }
0x2a: {  	s1 =	ssub.s32 @!p0 $0x0, s1;
	[sflag:s0] =	ssyncset.done @!p0 $0x0  }
0x2b: {  	[sflag:s0] =	ssyncadd.s32 @!p0 s1  }
0x2c: {  	[bflag:$0x3] =	sbarrier.arrive $0xFFFF  }
0x2d: {  	_ =	shalt  }

// kernel: kernel.7.cloned.1.call-start
scs
__scs_entry_jumppad:
0x0: {  	(pc) =	sbr.rel $0x88, $3  }
0x1: {  	(tag) =	ssettag $0x0;
	lr =	simm.s32 $0x1  }
0x2: {  	[smem:$0x3F9D] =	sst lr;
	_ =	strace $0xD0000000  }
0x3: {  	_ = 	snop  }
0x4: {  	_ = 	snop  }
0x5: {  	_ = 	snop  }
0x6: {  	_ = 	snop  }
0x7: {  	_ = 	snop  }
__scs_overlays_trampoline_lowered:
0x8: {  	[smem:$0x3FAC] =	sst s0  }
0x9: {  	[smem:$0x3FAD] =	sst s1  }
0xa: {  	[smem:$0x3FAE] =	sst s2  }
0xb: {  	[smem:$0x3FAF] =	sst s3  }
0xc: {  	[smem:$0x3FB0] =	sst s4  }
0xd: {  	[smem:$0x3FB1] =	sst s5  }
0xe: {  	[smem:$0x3FB2] =	sst s6  }
0xf: {  	[smem:$0x3FB3] =	sst s7  }
0x10: {  	[smem:$0x3FB4] =	sst s8  }
0x11: {  	[smem:$0x3FB5] =	sst s9;
	s0 =	simm.s32 @!p0 $0x0  }
0x12: {  	s1 =	sld [smem:$0x3F9B];
	s0 =	simm.s32 @p0 $0x1  }
0x13: {  	[smem:$0x3FB6] =	sst s0;
	s0 =	simm.s32 @!p1 $0x0  }
0x14: {  	s2 =	sld [smem:$0x3F9A];
	s0 =	simm.s32 @p1 $0x1  }
0x15: {  	[smem:$0x3FB7] =	sst s0;
	s0 =	simm.s32 @!p2 $0x0  }
0x16: {  	s3 =	sld [smem:$0x3FDB];
	s0 =	simm.s32 @p2 $0x1  }
0x17: {  	s4 =	simm.s32 $0x1BF5;
	[smem:$0x3FB9] =	sst s0  }
0x18: {  	s0 =	sld [smem:$0x3F9C];
	_ =	swait.ge [sflag:s4], $0x0  }
0x19: {  	s7 =	sld [smem:$0x3F9D]  }
0x1a: {  	s8 =	sadd.s32 $0xFFFFE003, lr  }
0x1b: {  	s9 =	sadd.s32 $0xFFFFFEF7, lr;
	s5 =	simm.s32 $0xFFFFFFFF;
	p2 =	slt.u32 s8, $0xFFFFF086  }
0x1c: {  	p1 =	slt.u32 s9, $0xF7A;
	s5 =	simm.s32 @!p2 $0x0  }
0x1d: {  	s5 =	simm.s32 @p1 $0x1;
	p0 =	seq.s32 s7, s2  }
0x1e: {  	s7 =	smul.u32 @!p0 $0xF7A, s2;
	p2 =	seq.s32 @!p0 s5, $0x0  }
0x1f: {  	s9 =	smul.u32 $0xF7A, s1;
	s8 =	simm.s32 @!p0 $0x1BF5;
	p2 =	por !p2, p0  }
0x20: {  	[sflag:s8] =	ssyncset.s32 @!p0 $0xFFFFF086;
	s6 =	sadd.s32 @!p0 s3, s7;
	s7 =	simm.s32 @!p0 $0x108  }
0x21: {  	s3 =	sadd.s32 s3, s9;
	s6 =	sadd.s32 @!p0 $0x88, s6;
	s7 =	simm.s32 @p2 $0x1082  }
0x22: {  	[simem:s7], [sflag:s8] =	dma.local @!p0 [hbm:s6], $0xF7A  }
0x23: {  	s9 =	sor.u32 $0xD0000000, s2;
	s6 =	simm.s32 $0x108;
	_ =	swait.ge @!p0 [sflag:s8], $0x0  }
0x24: {  	s3 =	sadd.s32 $0x88, s3;
	s6 =	simm.s32 @!p1 $0x1082;
	[sflag:s4] =	ssyncset.s32 $0xFFFFF086  }
0x25: {  	[simem:s6], [sflag:s4] =	dma.local [hbm:s3], $0xF7A  }
0x26: {  	[smem:$0x3F9D] =	sst s1;
	(tag) =	ssettag s2;
	_ =	strace s9  }
0x27: {  	s1 =	sld [smem:$0x3FAD]  }
0x28: {  	s2 =	sld [smem:$0x3FAE]  }
0x29: {  	s4 =	sld [smem:$0x3FB0]  }
0x2a: {  	p0 =	seq.s32 s5, $0x0;
	s5 =	sld [smem:$0x3FB1]  }
0x2b: {  	s6 =	sld [smem:$0x3FB2]  }
0x2c: {  	s7 =	sld [smem:$0x3FB3]  }
0x2d: {  	s3 =	simm.s32 $0x108;
	s8 =	sld [smem:$0x3FB4]  }
0x2e: {  	s3 =	simm.s32 @!p0 $0x1082;
	s9 =	sld [smem:$0x3FB5]  }
0x2f: {  	lr =	sadd.s32 s0, s3;
	s0 =	sld [smem:$0x3FAC]  }
0x30: {  	s3 =	sld [smem:$0x3FAF]  }
0x31: {  	[smem:$0x3FB8] =	sst s10  }
0x32: {  	s10 =	sld [smem:$0x3FB6];
	_ =	sdelay $0x3  }
0x33: {  	p0 =	seq.s32 s10, $0x1;
	s10 =	sld [smem:$0x3FB8];
	_ =	sdelay $0x3  }
0x34: {  	[smem:$0x3FB8] =	sst s10  }
0x35: {  	s10 =	sld [smem:$0x3FB7];
	_ =	sdelay $0x3  }
0x36: {  	p1 =	seq.s32 s10, $0x1;
	s10 =	sld [smem:$0x3FB8];
	_ =	sdelay $0x3  }
0x37: {  	[smem:$0x3FB8] =	sst s10  }
0x38: {  	s10 =	sld [smem:$0x3FB9]  }
0x39: {  	_ = 	snop;
	(pc) =	sbr.ind lr, $3  }
0x3a: {  	_ = 	snop  }
0x3b: {  	_ = 	snop  }
0x3c: {  	p2 =	seq.s32 s10, $0x1;
	s10 =	sld [smem:$0x3FB8]  }
0x3d: {  	_ =	shalt  }
0x3e: {  	_ =	shalt  }
0x3f: {  	_ =	shalt  }
0x40: {  	_ =	shalt  }
0x41: {  	_ =	shalt  }
0x42: {  	_ =	shalt  }
0x43: {  	_ =	shalt  }
0x44: {  	_ =	shalt  }
0x45: {  	_ =	shalt  }
0x46: {  	_ =	shalt  }
0x47: {  	_ =	shalt  }
0x48: {  	_ =	shalt  }
0x49: {  	_ =	shalt  }
0x4a: {  	_ =	shalt  }
0x4b: {  	_ =	shalt  }
0x4c: {  	_ =	shalt  }
0x4d: {  	_ =	shalt  }
0x4e: {  	_ =	shalt  }
0x4f: {  	_ =	shalt  }
0x50: {  	_ =	shalt  }
0x51: {  	_ =	shalt  }
0x52: {  	_ =	shalt  }
0x53: {  	_ =	shalt  }
0x54: {  	_ =	shalt  }
0x55: {  	_ =	shalt  }
0x56: {  	_ =	shalt  }
0x57: {  	_ =	shalt  }
0x58: {  	_ =	shalt  }
0x59: {  	_ =	shalt  }
0x5a: {  	_ =	shalt  }
0x5b: {  	_ =	shalt  }
0x5c: {  	_ =	shalt  }
0x5d: {  	_ =	shalt  }
0x5e: {  	_ =	shalt  }
0x5f: {  	_ =	shalt  }
0x60: {  	_ =	shalt  }
0x61: {  	_ =	shalt  }
0x62: {  	_ =	shalt  }
0x63: {  	_ =	shalt  }
0x64: {  	_ =	shalt  }
0x65: {  	_ =	shalt  }
0x66: {  	_ =	shalt  }
0x67: {  	_ =	shalt  }
0x68: {  	_ =	shalt  }
0x69: {  	_ =	shalt  }
0x6a: {  	_ =	shalt  }
0x6b: {  	_ =	shalt  }
0x6c: {  	_ =	shalt  }
0x6d: {  	_ =	shalt  }
0x6e: {  	_ =	shalt  }
0x6f: {  	_ =	shalt  }
0x70: {  	_ =	shalt  }
0x71: {  	_ =	shalt  }
0x72: {  	_ =	shalt  }
0x73: {  	_ =	shalt  }
0x74: {  	_ =	shalt  }
0x75: {  	_ =	shalt  }
0x76: {  	_ =	shalt  }
0x77: {  	_ =	shalt  }
0x78: {  	_ =	shalt  }
0x79: {  	_ =	shalt  }
0x7a: {  	_ =	shalt  }
0x7b: {  	_ =	shalt  }
0x7c: {  	_ =	shalt  }
0x7d: {  	_ =	shalt  }
0x7e: {  	_ =	shalt  }
0x7f: {  	_ =	shalt  }
0x80: {  	_ =	shalt  }
0x81: {  	_ =	shalt  }
0x82: {  	_ =	shalt  }
0x83: {  	_ =	shalt  }
0x84: {  	_ =	shalt  }
0x85: {  	_ =	shalt  }
0x86: {  	_ =	shalt  }
0x87: {  	_ =	shalt  }
.Lfunc_end0:
.L_simem_size_0:
called_computation.1_lowered:
.L_overlay_start_0:
0x88: {  	s2 =	sld [smem:$0x3FD9]  }
0x89: {  	s3 =	sld [smem:$0x3FFE];
	_ =	sdelay $0x1  }
0x8a: {  	s1 =	srdreg.scid  }
0x8b: {  	s0 =	sand.u32 $0x1, s1  }
0x8c: {  	s17 =	sshll.u32 s0, $0xA;
	s2 =	sadd.s32 s3, s2  }
0x8d: {  	s2 =	sadd.s32 s2, s17  }
0x8e: {  	[smem:$0x3FC4] =	sst s2  }
0x8f: {  	_ = 	snop  }
0x90: {  	s2 =	sld [smem:$0x3FC8]  }
0x91: {  	s18 =	sld [smem:$0x3FD0];
	(tm) =	ssettm $0x1  }
0x92: {  	s4 =	sld [smem:$0x3FFB];
	_ =	sdelay $0x3  }
0x93: {  	_ =	strace s4  }
0x94: {  	s4 =	sld [smem:$0x3FFC];
	_ =	sdelay $0x3  }
0x95: {  	_ =	strace s4  }
0x96: {  	s4 =	sld [smem:$0x3FFD];
	_ =	sdelay $0x3  }
0x97: {  	_ =	strace s4  }
0x98: {  	_ =	strace $0x8FFFFFFF  }
0x99: {  	s19 =	sld [smem:$0x3FDB];
	_ =	sdelay $0x1  }
0x9a: {  	s5 =	simm.s32 $_scs_section_size  }
0x9b: {  	s6 =	simm.s32 $_size__tile_overlayer_lowered;
	s7 =	simm.s32 $_tile_overlayer_lowered  }
0x9c: {  	s22 =	simm.s32 $0x1BFF;
	s21 =	sshll.u32 s7, $0x1;
	s4 =	sadd.s32 s5, s19  }
0x9d: {  	s8 =	simm.s32 $0x0;
	s20 =	sshll.u32 s6, $0x1;
	s6 =	sadd.s32 s21, s4  }
0x9e: {  	[timem:s8], [sflag:s22] =	dma.local [hbm:s6], s20  }
0x9f: {  	_ =	swait.ge [sflag:s22], s20  }
0xa0: {  	s5 =	ssub.s32 $0x0, s20;
	[sflag:s22] =	ssyncset.done $0x0  }
0xa1: {  	[sflag:s22] =	ssyncadd.s32 s5;
	_ =	sdelay $0x1  }
0xa2: {  	s23 =	simm.s32 $0x1B8B  }
0xa3: {  	_ =	swait.ge [sflag:s23], $0x1  }
0xa4: {  	[sflag:s23] =	ssyncset.done $0x0  }
0xa5: {  	s25 =	simm.s32 $0x1B8E;
	s24 =	sld [smem:$0x3FFE];
	[sflag:s23] =	ssyncadd.s32 $0xFFFFFFFF  }
0xa6: {  	s26 =	simm.s32 $execute0_lowered;
	[smem:$0x3FD2] =	sst s25  }
0xa7: {  	s6 =	sshll.u32 s26, $0x1;
	_ =	strace $0x80000049;
	[dreg:$0x1] =	wrdreg $0xFFFFFFFF  }
0xa8: {  	s28 =	simm.s32 $_size_execute0_lowered;
	s4 =	sadd.s32 s4, s6;
	[dreg:$0x0] =	wrdreg $0x0  }
0xa9: {  	s6 =	sshll.u32 s28, $0x1;
	[dreg:$0x2] =	wrdreg s4  }
0xaa: {  	[dreg:$0x3] =	wrdreg s6  }
0xab: {  	[dreg:$0x4] =	wrdreg $0xC0  }
0xac: {  	_ =	task [dreg:s8], $0x5FFFF  }
0xad: {  	[dreg:$0x1] =	wrdreg $0xFFFFFFFF  }
0xae: {  	[dreg:$0x0] =	wrdreg $0x60  }
0xaf: {  	[dreg:$0x2] =	wrdreg s2  }
0xb0: {  	[dreg:$0x3] =	wrdreg s24  }
0xb1: {  	[dreg:$0x4] =	wrdreg s18  }
0xb2: {  	[dreg:$0x5] =	wrdreg $0x9  }
0xb3: {  	_ =	task.clear_ibuf [dreg:s8], $0x6FFFF;
	_ =	strace $0x90000049  }
0xb4: {  	s29 =	simm.s32 $0x9;
	_ =	strace $0x8000004B  }
0xb5: {  	_ =	swait.ge [sflag:s29], $0x1  }
0xb6: {  	[sflag:s29] =	ssyncadd.s32 $0xFFFFFFFF  }
0xb7: {  	_ =	strace $0x9000004B  }
0xb8: {  	_ =	sfence  }
0xb9: {  	s30 =	sld [smem:$0x0];
	_ =	sdelay $0x2  }
0xba: {  	s31 =	sshll.u32 s1, $0xD;
	s1 =	sshrl.u32 s1, $0x2  }
0xbb: {  	s3 =	sand.u32 $0x4000, s31;
	s1 =	sadd.s32 s1, s30  }
0xbc: {  	s0 =	sor.u32 s3, s0;
	s1 =	sshll.u32 s1, $0x11  }
0xbd: {  	s0 =	sor.u32 s1, s0  }
0xbe: {  	s0 =	sadd.s32 $0x8F2B, s0  }
0xbf: {  	[sflag:s0] =	ssyncadd.remote.s32 $0x1  }
0xc0: {  	_ =	sfence.sel $0xFFFF  }
0xc1: {  	[dreg:$0x0] =	wrdreg $0xFFFFFFFF;
	(pc) =	sbr.abs _section_cstart, $3  }
0xc2: {  	[dreg:$0x1] =	wrdreg $0xFFFFFFFF  }
0xc3: {  	_ =	task.clear_ibuf [dreg:s8], $0x2FFFF;
	_ =	strace $0x9FFFFFFF  }
0xc4: {  	(tm) =	ssettm $0x7FFFFFFF  }
0xc5: {  	_ =	shalt  }
tec
execute0_lowered:
.L_overlay_start_1:
0x0: {  	(tag) =	ssettag $0x1  }
0x1: {  	s4 =	rddreg [dreg:$0x0]  }
0x2: {  	s5 =	rddreg [dreg:$0x1]  }
0x3: {  	s6 =	rddreg [dreg:$0x2]  }
0x4: {  	s0 =	rddreg [dreg:$0x3];
	s2 =	simm.s32 $0x0;
	s3 =	srdreg.scid  }
0x5: {  	s1 =	stileid.u32;
	s10 =	simm.s32 $0x200;
	s11 =	simm.s32 $0x2  }
0x6: {  	s12 =	simm.s32 $0x8200;
	s13 =	simm.s32 $0x3;
	s14 =	simm.s32 $0x0  }
0x7: {  	[smem:$0x7FF] =	sst s2;
	s7 =	sand.u32 $0x1, s3;
	s30 =	sshll.u32 s1, $0x1  }
0x8: {  	s3 =	sadd.s32 $0x69400, s5;
	s8 =	sor.u32 s7, s30;
	s7 =	ssub.s32 $0x2, s7  }
0x9: {  	_ =	strace $0x8000004A;
	s9 =	sshll.u32 s8, $0xB;
	s31 =	sshrl.u32 s7, $0x1  }
0xa: {  	s8 =	sshll.u32 s8, $0x6;
	s5 =	sadd.s32 s9, s5;
	s7 =	ssub.s32 s7, s31  }
0xb: {  	s4 =	sadd.s32 s4, s8;
	s6 =	sadd.s32 s6, s8;
	s8 =	simm.s32 $0x1  }
0xc: {  	s9 =	simm.s32 $0x4200;
	s5 =	sadd.s32 $0x59400, s5;
	s7 =	smax.u32 s7, $0x1  }
.LBB2_1:
0xd: {  	[tilespmem:s2], [sflag:$0x1] =	stream.linear.gather [hbm4b:s4+s2], $0x200, $0x38;
	[tilespmem:$0x8400] =	vst v63  }
0xe: {  	_ =	swait.ge [sflag:s8], $0x200  }
0xf: {  	[sflag:s8] =	ssyncset.done $0x0  }
0x10: {  	[sflag:s8] =	ssyncadd.s32 $0xFFFFFE00  }
0x11: {  	[tilespmem:s9], [sflag:$0x1] =	stream.linear.gather [hbm4b:s5+s2], $0x4000, $0x38;
	[tilespmem:$0x8400] =	vst v63  }
0x12: {  	s15 =	simm.s32 $0x200  }
0x13: {  	[tilespmem:s15], [sflag:$0x2] =	stream.indirect.gather [hbm4b:s3+s10], $0x1, s2, s10, $0xb8;
	[tilespmem:$0x8400] =	vst v63  }
0x14: {  	s16 =	smov.u32 s3;
	s15 =	simm.s32 $0x800  }
.LBB2_2:
0x15: {  	p0 =	sne.s32 s15, $0xF800  }
.Ltmp0:
0x16: {  	_ = 	snop;
	(pc) =	sbr.rel @p0 .LBB2_2-.Ltmp0, $4  }
0x17: {  	_ = 	snop  }
0x18: {  	s17 =	sshra.s32 s15, $0x2;
	s15 =	sadd.s32 $0x800, s15  }
0x19: {  	s16 =	sadd.s32 $0x2BF2, s16;
	s17 =	sadd.s32 $0x200, s17  }
0x1a: {  	[tilespmem:s17], [sflag:$0x2] =	stream.indirect.gather [hbm4b:s16+s10], $0x1, s2, s10, $0xb8;
	[tilespmem:$0x8400] =	vst v63  }
0x1b: {  	_ =	swait.ge [sflag:s11], $0x4000  }
0x1c: {  	[sflag:s11] =	ssyncset.done $0x0  }
0x1d: {  	[sflag:s11] =	ssyncadd.s32 $0xFFFFC000  }
0x1e: {  	_ =	swait.ge [sflag:s8], $0x4000  }
0x1f: {  	[sflag:s8] =	ssyncset.done $0x0  }
0x20: {  	s15 =	simm.s32 $0x0;
	[sflag:s8] =	ssyncadd.s32 $0xFFFFC000  }
0x21: {  	v2 =	vld [tilespmem:s15+$0x5800]  }
0x22: {  	v3 =	vld [tilespmem:s15+$0x5600]  }
0x23: {  	v4 =	vld [tilespmem:s15+$0x1000]  }
0x24: {  	v5 =	vld [tilespmem:s15+$0x5400]  }
0x25: {  	v6 =	vld [tilespmem:s15+$0x5200]  }
0x26: {  	v7 =	vld [tilespmem:s15+$0xC00]  }
0x27: {  	v8 =	vld [tilespmem:s15+$0x4400]  }
0x28: {  	v9 =	vld [tilespmem:s15+$0x4200]  }
0x29: {  	v10 =	vld [tilespmem:s15+$0x5000]  }
0x2a: {  	v11 =	vld [tilespmem:s15+$0x4600]  }
0x2b: {  	v12 =	vld [tilespmem:s15+$0x4E00]  }
0x2c: {  	v13 =	vld [tilespmem:s15+$0x4800]  }
0x2d: {  	v15 =	vld [tilespmem:s15+$0x400]  }
0x2e: {  	v16 =	vld [tilespmem:s15+$0x200]  }
0x2f: {  	v17 =	vld [tilespmem:s15+$0x4C00]  }
0x30: {  	v14 =	vld [tilespmem:s15+$0x4A00]  }
0x31: {  	v18 =	vld [tilespmem:s15+$0x600];
	v0 =	vmul.f32 v8, v8;
	v1 =	vmul.f32 v9, v9  }
0x32: {  	v19 =	vld [tilespmem:s15+$0x1200]  }
0x33: {  	v25 =	vld [tilespmem:s15+$0xA00];
	v22 =	vmul.f32 v15, v15;
	v0 =	vadd.f32 v0, v1;
	v1 =	vmul.f32 v11, v11  }
0x34: {  	v20 =	vld [tilespmem:s15+$0x800];
	v23 =	vmul.f32 v16, v16;
	v24 =	vmul.f32 v17, v17  }
0x35: {  	v21 =	vld [tilespmem:s15+$0xE00];
	v9 =	vmul.f32 v9, v16;
	v0 =	vadd.f32 v1, v0;
	v1 =	vmul.f32 v13, v13  }
0x36: {  	v28 =	vld [tilespmem:s15+$0x1600];
	v27 =	vmul.f32 v18, v18;
	v8 =	vmul.f32 v8, v15  }
0x37: {  	v29 =	vld [tilespmem:s15+$0x1A00];
	v9 =	vadd.f32 $0.0e+00, v9;
	v0 =	vadd.f32 v1, v0;
	v1 =	vmul.f32 v14, v14  }
0x38: {  	v31 =	vld [tilespmem:s15+$0x5E00];
	v30 =	vmul.f32 v25, v25;
	v22 =	vadd.f32 v22, v23;
	v23 =	vmul.f32 v12, v12  }
0x39: {  	v32 =	vld [tilespmem:s15+$0x5C00];
	v11 =	vmul.f32 v11, v18;
	v8 =	vadd.f32 v8, v9;
	v26 =	vadd.f32 v1, v0  }
0x3a: {  	v33 =	vld [tilespmem:s15+$0x1800];
	v12 =	vmul.f32 v12, v21;
	v21 =	vmul.f32 v21, v21  }
0x3b: {  	v58 =	vld [tilespmem:s15+$0x7E00];
	v13 =	vmul.f32 v13, v20;
	v8 =	vadd.f32 v11, v8;
	v24 =	vadd.f32 v24, v26  }
0x3c: {  	v59 =	vld [tilespmem:s15+$0x3A00];
	v22 =	vadd.f32 v27, v22;
	v27 =	vmul.f32 v10, v10;
	v26 =	vmul.f32 v20, v20  }
0x3d: {  	s16 =	simm.s32 $0x10;
	v61 =	vld [tilespmem:s15+$0x3400];
	v14 =	vmul.f32 v14, v25;
	v8 =	vadd.f32 v13, v8;
	v23 =	vadd.f32 v23, v24  }
0x3e: {  	v40 =	vld [tilespmem:s16+$0x4E00];
	v10 =	vmul.f32 v10, v4;
	v4 =	vmul.f32 v4, v4;
	v22 =	vadd.f32 v26, v22  }
0x3f: {  	v16 =	vld [tilespmem:s15+$0x1400];
	v8 =	vadd.f32 v14, v8;
	v26 =	vmul.f32 v6, v6;
	v23 =	vadd.f32 v27, v23  }
0x40: {  	v48 =	vld [tilespmem:s16+$0x4800];
	v6 =	vmul.f32 v6, v19;
	v27 =	vmul.f32 v7, v7;
	v22 =	vadd.f32 v30, v22  }
0x41: {  	v24 =	vld [tilespmem:s15+$0x5A00];
	v30 =	vmul.f32 v5, v5;
	v7 =	vmul.f32 v17, v7;
	v23 =	vadd.f32 v26, v23  }
0x42: {  	v19 =	vmul.f32 v19, v19;
	v17 =	vmul.f32 v31, v31;
	v22 =	vadd.f32 v27, v22;
	v27 =	vld [tilespmem:s15+$0x1C00]  }
0x43: {  	v44 =	vld [tilespmem:s16+$0x5400];
	v26 =	vmul.f32 v3, v3;
	v7 =	vadd.f32 v7, v8;
	v23 =	vadd.f32 v30, v23  }
0x44: {  	v1 =	vld [tilespmem:s15+$0x6200];
	v5 =	vmul.f32 v5, v16;
	v3 =	vmul.f32 v3, v28;
	v21 =	vadd.f32 v21, v22  }
0x45: {  	v22 =	vmul.f32 v2, v2;
	v30 =	vld [tilespmem:s15+$0x1E00];
	v7 =	vadd.f32 v12, v7;
	v23 =	vadd.f32 v26, v23  }
0x46: {  	v9 =	vld [tilespmem:s15+$0x2000];
	v18 =	vmul.f32 v24, v24;
	v2 =	vmul.f32 v2, v33;
	v4 =	vadd.f32 v4, v21  }
0x47: {  	v54 =	vld [tilespmem:s16+$0x5800];
	v7 =	vadd.f32 v10, v7;
	v12 =	vmul.f32 v27, v27;
	v21 =	vadd.f32 v22, v23  }
0x48: {  	v15 =	vld [tilespmem:s15+$0x6000];
	v22 =	vmul.f32 v16, v16;
	v4 =	vadd.f32 v19, v4;
	v19 =	vmul.f32 v28, v28  }
0x49: {  	v11 =	vld [tilespmem:s15+$0x6800];
	v23 =	vmul.f32 v32, v32;
	v16 =	vmul.f32 v1, v1  }
0x4a: {  	v6 =	vadd.f32 v6, v7;
	v25 =	vmul.f32 v31, v30;
	v31 =	vld [tilespmem:s15+$0x2200];
	v18 =	vadd.f32 v18, v21  }
0x4b: {  	v0 =	vld [tilespmem:s15+$0x6400];
	v7 =	vmul.f32 v9, v9;
	v10 =	vmul.f32 v30, v30;
	v4 =	vadd.f32 v22, v4  }
0x4c: {  	v20 =	vld [tilespmem:s15+$0x6600];
	v22 =	vmul.f32 v33, v33;
	v5 =	vadd.f32 v5, v6;
	v18 =	vadd.f32 v23, v18  }
0x4d: {  	v14 =	vld [tilespmem:s15+$0x7000];
	v6 =	vmul.f32 v32, v27;
	v4 =	vadd.f32 v19, v4;
	v19 =	vmul.f32 v15, v15  }
0x4e: {  	v27 =	vld [tilespmem:s15+$0x7C00];
	v3 =	vadd.f32 v3, v5;
	v17 =	vadd.f32 v17, v18;
	v18 =	vmul.f32 v29, v29  }
0x4f: {  	v30 =	vmul.f32 v31, v31;
	v1 =	vmul.f32 v1, v31;
	v31 =	vld [tilespmem:s15+$0x3800]  }
0x50: {  	v4 =	vadd.f32 v22, v4;
	v2 =	vadd.f32 v2, v3;
	v3 =	vmul.f32 v15, v9;
	v9 =	vld [tilespmem:s15+$0x8000]  }
0x51: {  	v42 =	vmul.f32 v48, v48;
	v17 =	vadd.f32 v19, v17;
	v19 =	vld [tilespmem:s15+$0x7400]  }
0x52: {  	v43 =	vmul.f32 v40, v40;
	v56 =	vmul.f32 v44, v44;
	v26 =	vld [tilespmem:s15+$0x6A00];
	v4 =	vadd.f32 v18, v4  }
0x53: {  	v23 =	vld [tilespmem:s15+$0x2C00];
	v5 =	vmul.f32 v14, v14;
	v18 =	vmul.f32 v0, v0;
	v16 =	vadd.f32 v16, v17  }
0x54: {  	v38 =	vmul.f32 v27, v27;
	v4 =	vadd.f32 v12, v4;
	v12 =	vld [tilespmem:s15+$0x2400];
	v62 =	vmul.f32 v31, v31  }
0x55: {  	v13 =	vld [tilespmem:s15+$0x6C00];
	v39 =	vmul.f32 v9, v9;
	v16 =	vadd.f32 v18, v16;
	v18 =	vmul.f32 v20, v20  }
0x56: {  	v4 =	vadd.f32 v10, v4;
	v10 =	vmul.f32 v24, v29;
	v24 =	vld [tilespmem:s15+$0x2600];
	v60 =	vmul.f32 v19, v19  }
0x57: {  	v28 =	vld [tilespmem:s15+$0x7800];
	v19 =	vmul.f32 v19, v61;
	v16 =	vadd.f32 v18, v16;
	v18 =	vmul.f32 v11, v11  }
0x58: {  	v21 =	vld [tilespmem:s15+$0x6E00];
	v4 =	vadd.f32 v7, v4;
	v2 =	vadd.f32 v10, v2;
	v10 =	vmul.f32 v23, v23  }
0x59: {  	v22 =	vld [tilespmem:s15+$0x2E00];
	v57 =	vmul.f32 v12, v12;
	v16 =	vadd.f32 v18, v16;
	v18 =	vmul.f32 v26, v26  }
0x5a: {  	v7 =	vld [tilespmem:s15+$0x2800];
	v12 =	vmul.f32 v0, v12;
	v0 =	vmul.f32 v59, v59;
	v2 =	vadd.f32 v6, v2  }
0x5b: {  	v36 =	vld [tilespmem:s16+$0x5200];
	v4 =	vadd.f32 v30, v4;
	v34 =	vmul.f32 v24, v24;
	v16 =	vadd.f32 v18, v16  }
0x5c: {  	v30 =	vld [tilespmem:s15+$0x2A00];
	v18 =	vmul.f32 v13, v13;
	v2 =	vadd.f32 v25, v2;
	v25 =	vmul.f32 v28, v28  }
0x5d: {  	v8 =	vld [tilespmem:s15+$0x7200];
	v4 =	vadd.f32 v57, v4;
	v13 =	vmul.f32 v13, v23;
	v28 =	vmul.f32 v28, v31  }
0x5e: {  	v17 =	vld [tilespmem:s15+$0x7600];
	v57 =	vmul.f32 v54, v54;
	v15 =	vadd.f32 v18, v16;
	v16 =	vmul.f32 v21, v21  }
0x5f: {  	v29 =	vld [tilespmem:s15+$0x7A00];
	v18 =	vmul.f32 v7, v7;
	v4 =	vadd.f32 v34, v4;
	v21 =	vmul.f32 v21, v22  }
0x60: {  	v23 =	vld [tilespmem:s15+$0x3000];
	v2 =	vadd.f32 v3, v2;
	v3 =	vmul.f32 v20, v24;
	v15 =	vadd.f32 v16, v15  }
0x61: {  	v46 =	vld [tilespmem:s16+$0x1600];
	v35 =	vmul.f32 v30, v30;
	v6 =	vmul.f32 v26, v30  }
0x62: {  	v26 =	vmul.f32 v8, v8;
	v30 =	vld [tilespmem:s15+$0x3600];
	v4 =	vadd.f32 v18, v4;
	v5 =	vadd.f32 v5, v15  }
0x63: {  	v24 =	vmul.f32 v17, v17;
	v7 =	vmul.f32 v11, v7;
	v18 =	vld [tilespmem:s15+$0x4000];
	v1 =	vadd.f32 v1, v2  }
0x64: {  	v11 =	vmul.f32 v29, v29;
	v16 =	vld [tilespmem:s15+$0x3E00];
	v4 =	vadd.f32 v35, v4;
	v26 =	vadd.f32 v26, v5  }
0x65: {  	v29 =	vmul.f32 v29, v59;
	v14 =	vmul.f32 v14, v23;
	v15 =	vld [tilespmem:s15+$0x3C00];
	v12 =	vadd.f32 v12, v1  }
0x66: {  	v49 =	vld [tilespmem:s16+$0x4C00];
	v23 =	vmul.f32 v23, v23;
	v10 =	vadd.f32 v10, v4;
	v2 =	vadd.f32 v60, v26  }
0x67: {  	v20 =	vld [tilespmem:s15+$0x3200];
	v37 =	vmul.f32 v30, v30;
	v3 =	vadd.f32 v3, v12;
	v17 =	vmul.f32 v17, v30  }
0x68: {  	v47 =	vld [tilespmem:s16+$0x5A00];
	v4 =	vmul.f32 v9, v18;
	v1 =	vmul.f32 v18, v18;
	v24 =	vadd.f32 v24, v2  }
0x69: {  	v18 =	vld [tilespmem:s16+$0xC00];
	v7 =	vadd.f32 v7, v3;
	v3 =	vmul.f32 v58, v16;
	v60 =	vmul.f32 v46, v46  }
0x6a: {  	v12 =	vld [tilespmem:s16+$0x4400];
	v5 =	vmul.f32 v15, v15;
	v2 =	vmul.f32 v27, v15;
	v15 =	vadd.f32 v25, v24  }
0x6b: {  	v26 =	vld [tilespmem:s16+$0x1000];
	v27 =	vmul.f32 v16, v16;
	v6 =	vadd.f32 v6, v7;
	v16 =	vmul.f32 v22, v22  }
0x6c: {  	v22 =	vmul.f32 v8, v20;
	v20 =	vmul.f32 v20, v20;
	v9 =	vadd.f32 v11, v15;
	v11 =	vld [tilespmem:s16+$0x4200]  }
0x6d: {  	v24 =	vmul.f32 v58, v58;
	v25 =	vld [tilespmem:s16+$0x5000];
	v6 =	vadd.f32 v13, v6;
	v10 =	vadd.f32 v16, v10  }
0x6e: {  	v13 =	vld [tilespmem:s16+$0x800];
	v50 =	vmul.f32 v18, v18;
	v18 =	vmul.f32 v49, v18;
	v8 =	vadd.f32 v38, v9  }
0x6f: {  	v63 =	vld [tilespmem:s16+$0x4600];
	v15 =	vmul.f32 v61, v61;
	v6 =	vadd.f32 v21, v6;
	v10 =	vadd.f32 v23, v10  }
0x70: {  	v51 =	vld [tilespmem:s16+$0x400];
	v23 =	vmul.f32 v36, v36;
	v61 =	vmul.f32 v47, v47;
	v8 =	vadd.f32 v24, v8  }
0x71: {  	v52 =	vld [tilespmem:s16+$0x200];
	v6 =	vadd.f32 v14, v6;
	v24 =	vmul.f32 v12, v12;
	v21 =	vmul.f32 v11, v11  }
0x72: {  	v45 =	vld [tilespmem:s16+$0x5600];
	v10 =	vadd.f32 v20, v10;
	v9 =	vmul.f32 v25, v26;
	v30 =	vadd.f32 v39, v8  }
0x73: {  	v41 =	vmul.f32 v13, v13;
	v6 =	vadd.f32 v22, v6;
	v14 =	vadd.f32 v24, v21;
	v24 =	vld [tilespmem:s16+$0x4A00]  }
0x74: {  	v26 =	vmul.f32 v26, v26;
	v21 =	vmul.f32 v63, v63;
	v16 =	vmax.f32 v30, $1.000000020e-16;
	v30 =	vld [tilespmem:s16+$0x600]  }
0x75: {  	v25 =	vmul.f32 v25, v25;
	v13 =	vmul.f32 v48, v13;
	v6 =	vadd.f32 v19, v6  }
0x76: {  	v7 =	vld [tilespmem:s16+$0x1200];
	v22 =	vmul.f32 v49, v49;
	v10 =	vadd.f32 v15, v10;
	v14 =	vadd.f32 v21, v14  }
0x77: {  	v19 =	vmul.f32 v51, v51;
	v6 =	vadd.f32 v17, v6;
	v17 =	vmul.f32 v52, v52  }
0x78: {  	v20 =	vld [tilespmem:s16+$0xA00];
	v12 =	vmul.f32 v12, v51;
	v14 =	vadd.f32 v42, v14;
	v53 =	vmul.f32 v24, v24  }
0x79: {  	v15 =	vmul.f32 v45, v45;
	v17 =	vadd.f32 v19, v17;
	v55 =	vmul.f32 v30, v30  }
0x7a: {  	v31 =	vld [tilespmem:s16+$0xE00];
	v11 =	vmul.f32 v11, v52;
	v10 =	vadd.f32 v37, v10;
	v14 =	vadd.f32 v53, v14  }
0x7b: {  	v8 =	vmul.f32 v36, v7;
	v28 =	vadd.f32 v28, v6;
	v6 =	vadd.f32 v55, v17  }
0x7c: {  	v59 =	vld [tilespmem:s16+$0x5E00];
	v7 =	vmul.f32 v7, v7;
	v11 =	vadd.f32 $0.0e+00, v11;
	v14 =	vadd.f32 v22, v14  }
0x7d: {  	v58 =	vld [tilespmem:s16+$0x1400];
	v10 =	vadd.f32 v62, v10;
	v17 =	vmul.f32 v20, v20;
	v6 =	vadd.f32 v41, v6  }
0x7e: {  	v11 =	vadd.f32 v12, v11;
	v19 =	vld [tilespmem:s16+$0x5C00];
	v30 =	vmul.f32 v63, v30;
	v14 =	vadd.f32 v43, v14  }
0x7f: {  	v21 =	vmul.f32 v40, v31;
	v0 =	vadd.f32 v0, v10;
	v10 =	vld [tilespmem:s16+$0x1A00];
	v6 =	vadd.f32 v17, v6  }
0x80: {  	v20 =	vmul.f32 v24, v20;
	v24 =	vld [tilespmem:s16+$0x6000];
	v11 =	vadd.f32 v30, v11;
	v14 =	vadd.f32 v25, v14  }
0x81: {  	v31 =	vmul.f32 v31, v31;
	v0 =	vadd.f32 v5, v0;
	v22 =	vld [tilespmem:s16+$0x1800];
	v6 =	vadd.f32 v50, v6  }
0x82: {  	v62 =	vmul.f32 v58, v58;
	v5 =	vadd.f32 v13, v11;
	v14 =	vadd.f32 v23, v14  }
0x83: {  	v63 =	vmul.f32 v59, v59;
	v30 =	vld [tilespmem:s16+$0x1E00];
	v13 =	vadd.f32 v27, v0;
	v6 =	vadd.f32 v31, v6  }
0x84: {  	v51 =	vld [tilespmem:s16+$0x6600];
	v52 =	vmul.f32 v47, v10;
	v5 =	vadd.f32 v20, v5;
	v11 =	vadd.f32 v56, v14  }
0x85: {  	v27 =	vld [tilespmem:s16+$0x1C00];
	v13 =	vadd.f32 v1, v13;
	v25 =	vmul.f32 v19, v19;
	v20 =	vadd.f32 v26, v6  }
0x86: {  	v17 =	vld [tilespmem:s16+$0x6200];
	v48 =	vmul.f32 v24, v24;
	v12 =	vmul.f32 v22, v22;
	v11 =	vadd.f32 v15, v11  }
0x87: {  	v22 =	vmul.f32 v54, v22;
	v18 =	vadd.f32 v18, v5;
	v23 =	vld [tilespmem:s16+$0x6400];
	v5 =	vadd.f32 v7, v20  }
0x88: {  	v50 =	vmul.f32 v59, v30;
	v26 =	vld [tilespmem:s16+$0x2000];
	v15 =	vmul.f32 v10, v10;
	v1 =	vadd.f32 v57, v11  }
0x89: {  	v0 =	vld [tilespmem:s16+$0x7000];
	v10 =	vadd.f32 v29, v28;
	v11 =	vmax.f32 v13, $1.000000020e-16;
	v13 =	vadd.f32 v62, v5  }
0x8a: {  	v54 =	vld [tilespmem:s16+$0x6E00];
	v19 =	vmul.f32 v19, v27;
	v14 =	vmul.f32 v44, v58;
	v7 =	vadd.f32 v61, v1  }
0x8b: {  	v31 =	vmul.f32 v17, v17;
	v56 =	vld [tilespmem:s16+$0x2600];
	v10 =	vadd.f32 v2, v10;
	v13 =	vadd.f32 v60, v13  }
0x8c: {  	v6 =	vld [tilespmem:s16+$0x2C00];
	v49 =	vmul.f32 v23, v23;
	v2 =	vadd.f32 v21, v18;
	v25 =	vadd.f32 v25, v7  }
0x8d: {  	v29 =	vld [tilespmem:s16+$0x6A00];
	v11 =	vmul.f32 v16, v11;
	v16 =	vmul.f32 v24, v26;
	v12 =	vadd.f32 v12, v13  }
0x8e: {  	v5 =	vld [tilespmem:s16+$0x6800];
	v9 =	vadd.f32 v9, v2;
	v24 =	vmul.f32 v27, v27;
	v18 =	vadd.f32 v63, v25  }
0x8f: {  	v1 =	vld [tilespmem:s16+$0x7400];
	v21 =	vshrl.u32 v11, $0x1;
	v13 =	vmul.f32 $5.000000000e-01, v11;
	v11 =	vadd.f32 v15, v12  }
0x90: {  	v2 =	vld [tilespmem:s16+$0x7200];
	v21 =	vsub.s32 $0x5F3759DF, v21;
	v8 =	vadd.f32 v8, v9;
	v18 =	vadd.f32 v48, v18  }
0x91: {  	v25 =	vld [tilespmem:s16+$0x2200];
	v15 =	vmul.f32 v30, v30;
	v30 =	vmul.f32 v21, v13;
	v9 =	vadd.f32 v24, v11  }
0x92: {  	v20 =	vmul.f32 v45, v46;
	v27 =	vadd.f32 v3, v10;
	v10 =	vld [tilespmem:s16+$0x2E00];
	v12 =	vadd.f32 v31, v18  }
0x93: {  	v24 =	vmul.f32 v26, v26;
	v18 =	vld [tilespmem:s16+$0x2400];
	v9 =	vadd.f32 v15, v9;
	v15 =	vmul.f32 v21, v30  }
0x94: {  	v3 =	vld [tilespmem:s16+$0x7600];
	v26 =	vmul.f32 v51, v51;
	v31 =	vadd.f32 v14, v8;
	v11 =	vadd.f32 v49, v12  }
0x95: {  	v7 =	vld [tilespmem:s16+$0x6C00];
	v30 =	vmul.f32 v5, v5;
	v12 =	vadd.f32 v4, v27;
	v15 =	vsub.f32 $1.500000000e+00, v15  }
0x96: {  	v27 =	vmul.f32 v25, v25;
	v9 =	vadd.f32 v24, v9;
	v26 =	vadd.f32 v26, v11;
	v11 =	vld [tilespmem:s16+$0x2800]  }
0x97: {  	v57 =	vmul.f32 v29, v29;
	v8 =	vld [tilespmem:s16+$0x7A00];
	v20 =	vadd.f32 v20, v31;
	v59 =	vmul.f32 v21, v15  }
0x98: {  	v24 =	vmul.f32 v18, v18;
	v27 =	vadd.f32 v27, v9;
	v26 =	vadd.f32 v30, v26;
	v30 =	vld [tilespmem:s16+$0x2A00]  }
0x99: {  	v58 =	vmul.f32 v56, v56;
	v14 =	vld [tilespmem:s16+$0x7C00];
	v22 =	vadd.f32 v22, v20;
	v31 =	vmul.f32 v59, v13  }
0x9a: {  	v4 =	vld [tilespmem:s16+$0x7800];
	v24 =	vadd.f32 v24, v27;
	v21 =	vadd.f32 v57, v26;
	v26 =	vmul.f32 v7, v7  }
0x9b: {  	v20 =	vld [tilespmem:s16+$0x3A00];
	v22 =	vadd.f32 v52, v22;
	v27 =	vmul.f32 v11, v11;
	v31 =	vmul.f32 v31, v59  }
0x9c: {  	v9 =	vld [tilespmem:s16+$0x7E00];
	v60 =	vadd.f32 v58, v24;
	v21 =	vadd.f32 v26, v21;
	v26 =	vmul.f32 v54, v54  }
0x9d: {  	v15 =	vld [tilespmem:s16+$0x8000];
	v61 =	vmul.f32 v30, v30;
	v24 =	vmul.f32 v29, v30;
	v30 =	vsub.f32 $1.500000000e+00, v31  }
0x9e: {  	v28 =	vmul.f32 v0, v0;
	v31 =	vadd.f32 v19, v22;
	v19 =	vld [tilespmem:s16+$0x3600];
	v29 =	vadd.f32 v26, v21  }
0x9f: {  	v32 =	vmul.f32 v51, v56;
	v53 =	vmul.f32 v6, v6;
	v27 =	vadd.f32 v27, v60;
	v21 =	vld [tilespmem:s16+$0x3E00]  }
0xa0: {  	v62 =	vmul.f32 v2, v2;
	v22 =	vmul.f32 v17, v25;
	v17 =	vadd.f32 v28, v29;
	v29 =	vld [tilespmem:s16+$0x3C00]  }
0xa1: {  	v55 =	vmul.f32 v1, v1;
	v36 =	vmul.f32 v3, v3;
	v26 =	vld [tilespmem:s16+$0x4000];
	v27 =	vadd.f32 v61, v27  }
0xa2: {  	v25 =	vmul.f32 v30, v59;
	v30 =	vmul.f32 v23, v18;
	v23 =	vld [tilespmem:s16+$0x3200];
	v63 =	vadd.f32 v62, v17  }
0xa3: {  	v33 =	vmul.f32 v4, v4;
	v34 =	vadd.f32 v50, v31;
	v18 =	vmul.f32 v20, v20;
	v17 =	vld [tilespmem:s16+$0x3800]  }
0xa4: {  	s17 =	simm.s32 $0x80;
	v28 =	vld [tilespmem:s16+$0x3400];
	v31 =	vadd.f32 v53, v27;
	v27 =	vmul.f32 v54, v10;
	v35 =	vadd.f32 v55, v63  }
.LBB2_4:
0xa5: {  	s18 =	sshra.s32 s17, $0x2;
	p0 =	sne.s32 s17, $0x7C0;
	s17 =	sadd.s32 $0x40, s17;
	v16 =	vadd.f32 v16, v34;
	v34 =	vmul.f32 v7, v6;
	v37 =	vld [tilespmem:s16+$0x3000];
	v6 =	vmul.f32 v29, v29  }
0xa6: {  	v38 =	vmul.f32 v5, v11;
	v7 =	vld [tilespmem:s18+$0x5800];
	v5 =	vadd.f32 v36, v35;
	v35 =	vmul.f32 v25, v13  }
0xa7: {  	v11 =	vmul.f32 v15, v26;
	v36 =	vmul.f32 v8, v8;
	v13 =	vld [tilespmem:s18+$0x5600];
	v16 =	vadd.f32 v22, v16  }
0xa8: {  	v39 =	vld [tilespmem:s18+$0x1000];
	v33 =	vadd.f32 v33, v5;
	v5 =	vmul.f32 v17, v17;
	v35 =	vmul.f32 v35, v25  }
0xa9: {  	v22 =	vld [tilespmem:s18+$0x5400];
	v40 =	vadd.f32 v30, v16;
	v30 =	vmul.f32 v19, v19;
	v16 =	vmul.f32 v26, v26  }
0xaa: {  	v26 =	vld [tilespmem:s18+$0x5200];
	v33 =	vadd.f32 v36, v33;
	v36 =	vmul.f32 v14, v14;
	v35 =	vsub.f32 $1.500000000e+00, v35  }
0xab: {  	v12 =	vmul.f32 $6.000000000e+00, v12;
	v14 =	vmul.f32 v14, v29;
	v41 =	vld [tilespmem:s18+$0xC00];
	v32 =	vadd.f32 v32, v40  }
0xac: {  	v29 =	vld [tilespmem:s18+$0x4400];
	v33 =	vadd.f32 v36, v33;
	v36 =	vmul.f32 v9, v9;
	v35 =	vmul.f32 v35, v25  }
0xad: {  	v15 =	vmul.f32 v15, v15;
	v25 =	vmul.f32 v21, v21;
	v40 =	vld [tilespmem:s18+$0x5000];
	v32 =	vadd.f32 v38, v32  }
0xae: {  	v0 =	vmul.f32 v0, v37;
	v38 =	vld [tilespmem:s18+$0x4E00];
	v33 =	vadd.f32 v36, v33;
	v35 =	vmul.f32 v35, v12  }
0xaf: {  	v12 =	vmul.f32 v9, v21;
	v36 =	vld [tilespmem:s18+$0x4200];
	v24 =	vadd.f32 v24, v32;
	v32 =	vmul.f32 v28, v28  }
0xb0: {  	v10 =	vmul.f32 v10, v10;
	v2 =	vmul.f32 v2, v23;
	v42 =	vld [tilespmem:s18+$0x1200];
	v15 =	vadd.f32 v15, v33;
	[tilespmem:s15+$0x8200] =	vst v35;
	s15 =	smov.u32 s16;
	s16 =	smov.u32 s18  }
0xb1: {  	v8 =	vmul.f32 v8, v20;
	v33 =	vld [tilespmem:s16+$0x4600];
	v21 =	vadd.f32 v34, v24;
	v24 =	vmul.f32 v37, v37  }
0xb2: {  	v1 =	vmul.f32 v1, v28;
	v34 =	vld [tilespmem:s16+$0x800];
	v9 =	vmul.f32 v40, v39  }
0xb3: {  	v4 =	vmul.f32 v4, v17;
	v28 =	vmul.f32 v29, v29;
	v35 =	vld [tilespmem:s16+$0x4800];
	v21 =	vadd.f32 v27, v21  }
0xb4: {  	v3 =	vmul.f32 v3, v19;
	v17 =	vmul.f32 v36, v36;
	v27 =	vld [tilespmem:s16+$0xE00]  }
0xb5: {  	v43 =	vmul.f32 v41, v41;
	v37 =	vld [tilespmem:s16+$0x4C00];
	v20 =	vmul.f32 v26, v42;
	v0 =	vadd.f32 v0, v21  }
0xb6: {  	v23 =	vmul.f32 v23, v23;
	v17 =	vadd.f32 v28, v17;
	v19 =	vmul.f32 v33, v33;
	v28 =	vld [tilespmem:s16+$0x4A00]  }
0xb7: {  	v10 =	vadd.f32 v10, v31;
	v15 =	vmax.f32 v15, $1.000000020e-16;
	v44 =	vld [tilespmem:s16+$0x400];
	v45 =	vmul.f32 v34, v34  }
0xb8: {  	v46 =	vmul.f32 v38, v38;
	v31 =	vld [tilespmem:s16+$0x600];
	v17 =	vadd.f32 v19, v17;
	v19 =	vmul.f32 v35, v35  }
0xb9: {  	v0 =	vadd.f32 v2, v0;
	v47 =	vld [tilespmem:s16+$0x200];
	v21 =	vmul.f32 v38, v27;
	v38 =	vmul.f32 v39, v39  }
0xba: {  	v40 =	vmul.f32 v40, v40;
	v2 =	vadd.f32 v19, v17;
	v39 =	vmul.f32 v37, v37;
	v19 =	vld [tilespmem:s16+$0x6200]  }
0xbb: {  	v10 =	vadd.f32 v24, v10;
	v27 =	vmul.f32 v27, v27;
	v48 =	vmul.f32 v28, v28;
	v17 =	vld [tilespmem:s16+$0x6400]  }
0xbc: {  	v26 =	vmul.f32 v26, v26;
	v0 =	vadd.f32 v1, v0;
	v24 =	vmul.f32 v37, v41;
	v37 =	vld [tilespmem:s16+$0x1600]  }
0xbd: {  	v10 =	vadd.f32 v23, v10;
	v1 =	vmul.f32 v44, v44;
	v41 =	vmul.f32 v31, v31;
	v49 =	vld [tilespmem:s16+$0x1A00]  }
0xbe: {  	v34 =	vmul.f32 v35, v34;
	v35 =	vmul.f32 v22, v22;
	v0 =	vadd.f32 v3, v0;
	v23 =	vld [tilespmem:s16+$0xA00]  }
0xbf: {  	v42 =	vmul.f32 v42, v42;
	v10 =	vadd.f32 v32, v10;
	v3 =	vmul.f32 v47, v47;
	v50 =	vld [tilespmem:s16+$0x5A00]  }
0xc0: {  	v32 =	vmul.f32 v13, v13;
	v29 =	vmul.f32 v29, v44;
	v2 =	vadd.f32 v48, v2;
	v44 =	vld [tilespmem:s16+$0x5E00]  }
0xc1: {  	v36 =	vmul.f32 v36, v47;
	v1 =	vadd.f32 v1, v3;
	v3 =	vmul.f32 v33, v31;
	v31 =	vld [tilespmem:s16+$0x5C00]  }
0xc2: {  	v4 =	vadd.f32 v4, v0;
	v2 =	vadd.f32 v39, v2;
	v39 =	vmul.f32 v7, v7;
	v33 =	vld [tilespmem:s16+$0x1800]  }
0xc3: {  	v47 =	vmul.f32 v37, v37;
	v0 =	vadd.f32 v41, v1;
	v1 =	vmul.f32 v23, v23;
	v41 =	vld [tilespmem:s16+$0x1400]  }
0xc4: {  	v10 =	vadd.f32 v30, v10;
	v2 =	vadd.f32 v46, v2;
	v46 =	vmul.f32 v50, v50;
	v48 =	vld [tilespmem:s16+$0x1C00]  }
0xc5: {  	v30 =	vadd.f32 $0.0e+00, v36;
	v28 =	vmul.f32 v28, v23;
	v0 =	vadd.f32 v45, v0;
	v36 =	vld [tilespmem:s16+$0x6000]  }
0xc6: {  	v5 =	vadd.f32 v5, v10;
	v2 =	vadd.f32 v40, v2;
	v40 =	vmul.f32 v31, v31;
	v45 =	vld [tilespmem:s16+$0x1E00]  }
0xc7: {  	v10 =	vadd.f32 v29, v30;
	v0 =	vadd.f32 v1, v0;
	v29 =	vmul.f32 v33, v33;
	v30 =	vld [tilespmem:s16+$0x2000]  }
0xc8: {  	v52 =	vmul.f32 v44, v44;
	v1 =	vadd.f32 v18, v5;
	v51 =	vmul.f32 v41, v41;
	v23 =	vld [tilespmem:s16+$0x6600]  }
0xc9: {  	v3 =	vadd.f32 v3, v10;
	v2 =	vadd.f32 v26, v2;
	v26 =	vmul.f32 v7, v33;
	v5 =	vld [tilespmem:s16+$0x6800]  }
0xca: {  	v0 =	vadd.f32 v43, v0;
	v1 =	vadd.f32 v6, v1;
	v33 =	vmul.f32 v36, v36;
	v43 =	vld [tilespmem:s16+$0x6A00]  }
0xcb: {  	v3 =	vadd.f32 v34, v3;
	v2 =	vadd.f32 v35, v2;
	v22 =	vmul.f32 v22, v41;
	v7 =	vld [tilespmem:s16+$0x6C00]  }
0xcc: {  	v6 =	vadd.f32 v27, v0;
	v27 =	vmul.f32 v19, v19;
	v1 =	vadd.f32 v25, v1;
	v18 =	vld [tilespmem:s16+$0x6E00]  }
0xcd: {  	v3 =	vadd.f32 v28, v3;
	v2 =	vadd.f32 v32, v2;
	v25 =	vmul.f32 v49, v49;
	v0 =	vld [tilespmem:s16+$0x7000]  }
0xce: {  	v28 =	vmul.f32 v17, v17;
	v10 =	vadd.f32 v38, v6;
	v16 =	vadd.f32 v16, v1;
	v6 =	vld [tilespmem:s16+$0x2C00]  }
0xcf: {  	v24 =	vadd.f32 v24, v3;
	v32 =	vmul.f32 v44, v45;
	v1 =	vadd.f32 v39, v2;
	v2 =	vld [tilespmem:s16+$0x7200]  }
0xd0: {  	v34 =	vmul.f32 v13, v37;
	v35 =	vmul.f32 v50, v49;
	v3 =	vadd.f32 v42, v10;
	v10 =	vld [tilespmem:s16+$0x2E00]  }
0xd1: {  	v8 =	vadd.f32 v8, v4;
	v13 =	vadd.f32 v46, v1;
	v16 =	vmax.f32 v16, $1.000000020e-16;
	v1 =	vld [tilespmem:s16+$0x7400]  }
0xd2: {  	v31 =	vmul.f32 v31, v48;
	v37 =	vadd.f32 v51, v3;
	v38 =	vmul.f32 v0, v0;
	v3 =	vld [tilespmem:s16+$0x7600]  }
0xd3: {  	v39 =	vadd.f32 v14, v8;
	v15 =	vmul.f32 v15, v16;
	v13 =	vadd.f32 v40, v13;
	v4 =	vld [tilespmem:s16+$0x7800]  }
0xd4: {  	v21 =	vadd.f32 v21, v24;
	v16 =	vmul.f32 v36, v30;
	v24 =	vadd.f32 v47, v37;
	v8 =	vld [tilespmem:s16+$0x7A00]  }
0xd5: {  	v13 =	vadd.f32 v52, v13;
	v37 =	vshrl.u32 v15, $0x1;
	v36 =	vmul.f32 v6, v6;
	v14 =	vld [tilespmem:s16+$0x7C00]  }
0xd6: {  	v21 =	vadd.f32 v9, v21;
	v24 =	vadd.f32 v29, v24;
	v29 =	vmul.f32 v48, v48;
	v9 =	vld [tilespmem:s16+$0x7E00]  }
0xd7: {  	v33 =	vadd.f32 v33, v13;
	v13 =	vmul.f32 $5.000000000e-01, v15;
	v41 =	vmul.f32 v1, v1;
	v40 =	vld [tilespmem:s16+$0x2200]  }
0xd8: {  	v37 =	vsub.s32 $0x5F3759DF, v37;
	v24 =	vadd.f32 v25, v24;
	v25 =	vmul.f32 v45, v45;
	v15 =	vld [tilespmem:s16+$0x8000]  }
0xd9: {  	v12 =	vadd.f32 v12, v39;
	v27 =	vadd.f32 v27, v33;
	v33 =	vmul.f32 v37, v13;
	v42 =	vld [tilespmem:s16+$0x2400]  }
0xda: {  	v20 =	vadd.f32 v20, v21;
	v21 =	vadd.f32 v29, v24;
	v24 =	vmul.f32 v30, v30  }
0xdb: {  	v12 =	vadd.f32 v11, v12;
	v27 =	vadd.f32 v28, v27;
	v28 =	vmul.f32 v23, v23;
	v39 =	vld [tilespmem:s16+$0x2600]  }
0xdc: {  	v29 =	vmul.f32 v37, v33;
	v21 =	vadd.f32 v25, v21;
	v25 =	vmul.f32 v40, v40  }
0xdd: {  	v27 =	vadd.f32 v28, v27;
	v28 =	vmul.f32 v5, v5;
	v11 =	vld [tilespmem:s16+$0x2800]  }
0xde: {  	v29 =	vsub.f32 $1.500000000e+00, v29;
	v21 =	vadd.f32 v24, v21;
	v24 =	vmul.f32 v42, v42  }
0xdf: {  	v20 =	vadd.f32 v22, v20;
	v22 =	vadd.f32 v28, v27;
	v28 =	vmul.f32 v43, v43;
	v27 =	vld [tilespmem:s16+$0x2A00]  }
0xe0: {  	v30 =	vmul.f32 v37, v29;
	v21 =	vadd.f32 v25, v21;
	v25 =	vmul.f32 v39, v39  }
0xe1: {  	v20 =	vadd.f32 v34, v20;
	v22 =	vadd.f32 v28, v22;
	v28 =	vmul.f32 v7, v7  }
0xe2: {  	v21 =	vadd.f32 v24, v21;
	v24 =	vmul.f32 v30, v13;
	v29 =	vmul.f32 v11, v11  }
0xe3: {  	v26 =	vadd.f32 v26, v20;
	v22 =	vadd.f32 v28, v22;
	v28 =	vmul.f32 v18, v18  }
0xe4: {  	v25 =	vadd.f32 v25, v21;
	v34 =	vmul.f32 v24, v30;
	v33 =	vmul.f32 v27, v27;
	v20 =	vld [tilespmem:s16+$0x3A00]  }
0xe5: {  	v35 =	vadd.f32 v35, v26;
	v24 =	vmul.f32 v43, v27;
	v27 =	vadd.f32 v28, v22;
	v21 =	vld [tilespmem:s16+$0x3E00]  }
0xe6: {  	v25 =	vadd.f32 v29, v25;
	v28 =	vmul.f32 v2, v2;
	v34 =	vsub.f32 $1.500000000e+00, v34;
	v26 =	vld [tilespmem:s16+$0x4000]  }
.Ltmp1:
0xe7: {  	v31 =	vadd.f32 v31, v35;
	v22 =	vmul.f32 v19, v40;
	v27 =	vadd.f32 v38, v27;
	v29 =	vld [tilespmem:s16+$0x3C00];
	(pc) =	sbr.rel @p0 .LBB2_4-.Ltmp1, $4  }
0xe8: {  	v35 =	vadd.f32 v33, v25;
	v33 =	vmul.f32 v4, v4;
	v25 =	vmul.f32 v34, v30;
	v19 =	vld [tilespmem:s16+$0x3600]  }
0xe9: {  	v34 =	vadd.f32 v32, v31;
	v30 =	vmul.f32 v17, v42;
	v37 =	vadd.f32 v28, v27;
	v17 =	vld [tilespmem:s16+$0x3800]  }
0xea: {  	v31 =	vadd.f32 v36, v35;
	v27 =	vmul.f32 v18, v10;
	v18 =	vmul.f32 v20, v20;
	v28 =	vld [tilespmem:s16+$0x3400]  }
0xeb: {  	v32 =	vmul.f32 v23, v39;
	v36 =	vmul.f32 v3, v3;
	v35 =	vadd.f32 v41, v37;
	v23 =	vld [tilespmem:s16+$0x3200]  }
0xec: {  	v37 =	vld [tilespmem:s16+$0x3000];
	_ =	sdelay $0x2  }
0xed: {  	v10 =	vmul.f32 v10, v10;
	_ =	sdelay $0x1  }
0xee: {  	v10 =	vadd.f32 v10, v31;
	v61 =	vmul.f32 v37, v37;
	_ =	sdelay $0x1  }
0xef: {  	v62 =	vmul.f32 v23, v23;
	v10 =	vadd.f32 v61, v10;
	_ =	sdelay $0x1  }
0xf0: {  	v63 =	vmul.f32 v28, v28;
	v10 =	vadd.f32 v62, v10;
	_ =	sdelay $0x1  }
0xf1: {  	v38 =	vmul.f32 v19, v19;
	v10 =	vadd.f32 v63, v10;
	_ =	sdelay $0x1  }
0xf2: {  	v35 =	vadd.f32 v36, v35;
	v39 =	vmul.f32 v17, v17;
	v10 =	vadd.f32 v38, v10;
	_ =	sdelay $0x1  }
0xf3: {  	v40 =	vmul.f32 v8, v8;
	v33 =	vadd.f32 v33, v35;
	v10 =	vadd.f32 v39, v10  }
0xf4: {  	v42 =	vmul.f32 v14, v14  }
0xf5: {  	v43 =	vmul.f32 v29, v29;
	v41 =	vadd.f32 v40, v33;
	v10 =	vadd.f32 v18, v10  }
0xf6: {  	v16 =	vadd.f32 v16, v34;
	v45 =	vmul.f32 v9, v9  }
0xf7: {  	v46 =	vmul.f32 v21, v21;
	v44 =	vadd.f32 v42, v41;
	v10 =	vadd.f32 v43, v10  }
0xf8: {  	v47 =	vmul.f32 v26, v26;
	v16 =	vadd.f32 v22, v16  }
0xf9: {  	v48 =	vmul.f32 v15, v15;
	v18 =	vadd.f32 v45, v44;
	v10 =	vadd.f32 v46, v10  }
0xfa: {  	v16 =	vadd.f32 v30, v16  }
0xfb: {  	v18 =	vadd.f32 v48, v18;
	v10 =	vadd.f32 v47, v10  }
0xfc: {  	v5 =	vmul.f32 v5, v11;
	v49 =	vadd.f32 v32, v16  }
0xfd: {  	v50 =	vmax.f32 v18, $1.000000020e-16;
	v10 =	vmax.f32 v10, $1.000000020e-16  }
0xfe: {  	v5 =	vadd.f32 v5, v49;
	v10 =	vmul.f32 v50, v10  }
0xff: {  	v6 =	vmul.f32 v7, v6  }
0x100: {  	v5 =	vadd.f32 v24, v5;
	v51 =	vshrl.u32 v10, $0x1;
	v10 =	vmul.f32 $5.000000000e-01, v10  }
0x101: {  	v7 =	vsub.s32 $0x5F3759DF, v51  }
0x102: {  	v5 =	vadd.f32 v6, v5;
	v52 =	vmul.f32 v7, v10;
	_ =	sdelay $0x1  }
0x103: {  	v0 =	vmul.f32 v0, v37;
	v5 =	vadd.f32 v27, v5;
	v6 =	vmul.f32 v7, v52;
	_ =	sdelay $0x1  }
0x104: {  	v2 =	vmul.f32 v2, v23;
	v0 =	vadd.f32 v0, v5;
	v53 =	vsub.f32 $1.500000000e+00, v6;
	_ =	sdelay $0x1  }
0x105: {  	v1 =	vmul.f32 v1, v28;
	v0 =	vadd.f32 v2, v0;
	v54 =	vmul.f32 v7, v53;
	_ =	sdelay $0x1  }
0x106: {  	v3 =	vmul.f32 v3, v19;
	v0 =	vadd.f32 v1, v0;
	v55 =	vmul.f32 v54, v10;
	_ =	sdelay $0x1  }
0x107: {  	v4 =	vmul.f32 v4, v17;
	v0 =	vadd.f32 v3, v0;
	v1 =	vmul.f32 v55, v54;
	_ =	sdelay $0x1  }
0x108: {  	v56 =	vmul.f32 v8, v20;
	v0 =	vadd.f32 v4, v0;
	v1 =	vsub.f32 $1.500000000e+00, v1;
	_ =	sdelay $0x1  }
0x109: {  	v57 =	vmul.f32 v14, v29;
	v0 =	vadd.f32 v56, v0;
	v1 =	vmul.f32 v1, v54  }
0x10a: {  	v58 =	vmul.f32 v25, v13  }
0x10b: {  	v59 =	vmul.f32 v9, v21;
	v0 =	vadd.f32 v57, v0;
	v60 =	vmul.f32 v1, v10  }
0x10c: {  	v2 =	vmul.f32 v58, v25  }
0x10d: {  	v61 =	vmul.f32 v15, v26;
	v0 =	vadd.f32 v59, v0;
	v62 =	vmul.f32 v60, v1  }
0x10e: {  	v2 =	vsub.f32 $1.500000000e+00, v2  }
0x10f: {  	v0 =	vadd.f32 v61, v0;
	v3 =	vsub.f32 $1.500000000e+00, v62  }
0x110: {  	v63 =	vmul.f32 $6.000000000e+00, v12;
	v2 =	vmul.f32 v2, v25  }
0x111: {  	v0 =	vmul.f32 $6.000000000e+00, v0;
	v1 =	vmul.f32 v3, v1  }
0x112: {  	v2 =	vmul.f32 v2, v63  }
0x113: {  	s14 =	sadd.s32 $0x1, s14;
	v0 =	vmul.f32 v1, v0  }
0x114: {  	p0 =	sne.s32 s14, s7;
	[tilespmem:s15+$0x8200] =	vst v2  }
.Ltmp2:
0x115: {  	[tilespmem:s16+$0x8200] =	vst v0;
	(pc) =	sbr.rel @p0 .LBB2_1-.Ltmp2, $4  }
0x116: {  	[hbm4b:s6+s2] =	stream.linear.scatter [tilespmem:s12], [sflag:$0x3], $0x200, $0x38;
	[tilespmem:$0x8400] =	vst v63  }
0x117: {  	_ =	swait.ge [sflag:s13], $0x200  }
0x118: {  	[sflag:s13] =	ssyncset.done $0x0  }
0x119: {  	[sflag:s13] =	ssyncadd.s32 $0xFFFFFE00  }
0x11a: {  	_ =	sfence.sel $0x180000  }
0x11b: {  	[bflag:$0x0] =	sbarrier.arrive $0xFFFF  }
0x11c: {  	p0 =	sne.s32 s1, $0x0;
	_ =	strace $0x9000004A  }
0x11d: {  	s0 =	sadd.s32 @!p0 $0x100000, s0;
	[bflag:$0x2] =	sbarrier.arrive $0xFFFF  }
0x11e: {  	[sflag:s0] =	ssyncadd.tile.s32 @!p0 $0x1;
	_ =	shalt  }
.Lfunc_end2:
_tile_overlayer_lowered:
.L_overlay_start_2:
0x11f: {  	(tag) =	ssettag $0x2  }
0x120: {  	s0 =	rddreg [dreg:$0x0];
	s2 =	stileid.u32  }
0x121: {  	s1 =	rddreg [dreg:$0x1];
	p0 =	sne.s32 s2, $0x0  }
0x122: {  	s3 =	rddreg [dreg:$0x2];
	[bflag:$0x3] =	sbarrier.arrive $0xFFFF;
	s2 =	simm.s32 @!p0 $0x1C03  }
0x123: {  	[timem:s3], [sflag:s2] =	dma.local @!p0 [hbm:s0], s1  }
0x124: {  	s0 =	simm.s32 @!p0 $0x3  }
0x125: {  	_ =	swait.ge @!p0 [sflag:s0], s1  }
0x126: {  	s1 =	ssub.s32 @!p0 $0x0, s1;
	[sflag:s0] =	ssyncset.done @!p0 $0x0  }
0x127: {  	[sflag:s0] =	ssyncadd.s32 @!p0 s1  }
0x128: {  	[bflag:$0x3] =	sbarrier.arrive $0xFFFF  }
0x129: {  	_ =	shalt  }

</sc_bundles>
